<compile_context>
chip_gen: v7x
topology: tpu7x:2x2x1
jax: 0.10.2.dev20260603
libtpu: 0.0.44.dev20260713+nightly
codegen_flags: <defaults>
</compile_context>

<pallas_src>
import functools

import jax
import jax.numpy as jnp
from jax import lax
from jax.experimental import pallas as pl
from jax.experimental.pallas import tpu as pltpu
from jax.experimental.pallas import tpu_sc as plsc

NC = 2
NS = 16
NW = NC * NS
KB = 128

_MESH = plsc.VectorSubcoreMesh(
    core_axis_name="c", subcore_axis_name="s", num_cores=NC, num_subcores=NS
)


def _make_deg_kernel(n_pad, nchunk, rpt):

  @functools.partial(
      pl.kernel,
      out_type=jax.ShapeDtypeStruct((n_pad, 128), jnp.float32),
      mesh=_MESH,
      compiler_params=pltpu.CompilerParams(use_tc_tiling_on_sc=False),
      scratch_types=[
          pltpu.VMEM((nchunk, KB), jnp.int32),
          pltpu.VMEM((KB, 16), jnp.float32),
          pltpu.VMEM_SHARED((n_pad, 16), jnp.float32),
          pltpu.SemaphoreType.DMA,
      ],
  )
  def deg_kernel(ei_hbm, ones_hbm, z_hbm, out_hbm, dst_v, ones_v, acc, sem):
    c = lax.axis_index("c")
    s = lax.axis_index("s")
    pltpu.sync_copy(ei_hbm.at[1, c, s], dst_v)
    pltpu.sync_copy(ones_hbm, ones_v)
    pltpu.sync_copy(z_hbm, acc.at[pl.ds(s * rpt, rpt)])
    plsc.subcore_barrier()

    @pl.loop(0, nchunk)
    def _(j):
      pltpu.async_copy(ones_v, acc.at[dst_v.at[j]], sem, add=True)

      @pl.when(j >= 4)
      def _(j=j):
        pltpu.make_async_copy(ones_v, acc.at[dst_v.at[j - 4]], sem).wait()

    for j in range(nchunk - 4, nchunk):
      pltpu.make_async_copy(ones_v, acc.at[dst_v.at[j]], sem).wait()

    plsc.subcore_barrier()
    pltpu.sync_copy(acc.at[pl.ds(s * rpt, rpt)],
                    out_hbm.at[pl.ds(s * rpt, rpt), pl.ds(c * 16, 16)])

  return deg_kernel


def _pipeline(table, src_v, dst_v, rows_v, acc, gsem, ssem, nchunk, slots,
              depth):

  def gather(j, sl):
    pltpu.async_copy(table.at[src_v.at[j]],
                     rows_v.at[pl.ds(sl * KB, KB)], gsem.at[sl])

  def scat_wait(j, sl):
    pltpu.make_async_copy(rows_v.at[pl.ds(sl * KB, KB)],
                          acc.at[dst_v.at[j]], ssem.at[sl]).wait()

  for j in range(depth):
    gather(j, j % slots)

  @pl.loop(0, nchunk)
  def _(j):
    sl = lax.rem(j, slots)
    pltpu.make_async_copy(table.at[src_v.at[j]],
                          rows_v.at[pl.ds(sl * KB, KB)], gsem.at[sl]).wait()
    pltpu.async_copy(rows_v.at[pl.ds(sl * KB, KB)],
                     acc.at[dst_v.at[j]], ssem.at[sl], add=True)

    @pl.when(j + depth >= slots)
    def _():
      scat_wait(j + depth - slots, lax.rem(j + depth - slots, slots))

    @pl.when(j + depth < nchunk)
    def _():
      gather(j + depth, lax.rem(j + depth, slots))

  for j in range(max(0, nchunk - (slots - depth)), nchunk):
    scat_wait(j, j % slots)


def _make_split_agg_kernel(n, feat2, n_pad, nchunk, rpt, slots, depth):

  @functools.partial(
      pl.kernel,
      out_type=jax.ShapeDtypeStruct((n_pad, 128), jnp.float32),
      mesh=_MESH,
      compiler_params=pltpu.CompilerParams(use_tc_tiling_on_sc=False),
      scratch_types=[
          pltpu.VMEM((nchunk, KB), jnp.int32),
          pltpu.VMEM((nchunk, KB), jnp.int32),
          pltpu.VMEM((slots * KB, feat2), jnp.float32),
          pltpu.VMEM_SHARED((n + 8, feat2), jnp.float32),
          pltpu.VMEM_SHARED((n_pad, feat2), jnp.float32),
          pltpu.SemaphoreType.DMA((slots,)),
          pltpu.SemaphoreType.DMA((slots,)),
      ],
  )
  def agg_kernel(full_hbm, ei_hbm, z_hbm, out_hbm,
                 src_v, dst_v, rows_v, table, acc, gsem, ssem):
    c = lax.axis_index("c")
    s = lax.axis_index("s")
    npt = n // NS
    pltpu.sync_copy(ei_hbm.at[0, s], src_v)
    pltpu.sync_copy(ei_hbm.at[1, s], dst_v)
    pltpu.sync_copy(
        full_hbm.at[pl.ds(s * npt, npt), pl.ds(c * feat2, feat2)],
        table.at[pl.ds(s * npt, npt)])
    pltpu.sync_copy(z_hbm, acc.at[pl.ds(s * rpt, rpt)])
    plsc.subcore_barrier()
    _pipeline(table, src_v, dst_v, rows_v, acc, gsem, ssem, nchunk, slots,
              depth)
    plsc.subcore_barrier()
    pltpu.sync_copy(acc.at[pl.ds(s * rpt, rpt)],
                    out_hbm.at[pl.ds(s * rpt, rpt), pl.ds(c * feat2, feat2)])

  return agg_kernel


def _make_agg_kernel(n, feat, n_pad, nchunk, rpt, slots, depth):

  @functools.partial(
      pl.kernel,
      out_type=jax.ShapeDtypeStruct((n_pad, 2 * feat), jnp.float32),
      mesh=_MESH,
      compiler_params=pltpu.CompilerParams(use_tc_tiling_on_sc=False),
      scratch_types=[
          pltpu.VMEM((nchunk, KB), jnp.int32),
          pltpu.VMEM((nchunk, KB), jnp.int32),
          pltpu.VMEM((slots * KB, feat), jnp.float32),
          pltpu.VMEM_SHARED((n + 8, feat), jnp.float32),
          pltpu.VMEM_SHARED((n_pad, feat), jnp.float32),
          pltpu.SemaphoreType.DMA((slots,)),
          pltpu.SemaphoreType.DMA((slots,)),
      ],
  )
  def agg_kernel(table_hbm, ei_hbm, z_hbm, out_hbm,
                 src_v, dst_v, rows_v, table, acc, gsem, ssem):
    c = lax.axis_index("c")
    s = lax.axis_index("s")
    npt = n // NS
    pltpu.sync_copy(ei_hbm.at[0, c, s], src_v)
    pltpu.sync_copy(ei_hbm.at[1, c, s], dst_v)
    pltpu.sync_copy(table_hbm.at[pl.ds(s * npt, npt), pl.ds(0, feat)],
                    table.at[pl.ds(s * npt, npt)])
    pltpu.sync_copy(z_hbm, acc.at[pl.ds(s * rpt, rpt)])
    plsc.subcore_barrier()
    _pipeline(table, src_v, dst_v, rows_v, acc, gsem, ssem, nchunk, slots,
              depth)
    plsc.subcore_barrier()
    pltpu.sync_copy(acc.at[pl.ds(s * rpt, rpt)],
                    out_hbm.at[pl.ds(s * rpt, rpt), pl.ds(c * feat, feat)])

  return agg_kernel


def _dinv(deg_ref):
  deg = deg_ref[:, :1] + deg_ref[:, 16:17] + 2.0
  return lax.rsqrt(deg)


def _tc1_body(x_ref, w_ref, deg_ref, o_ref):
  dinv = _dinv(deg_ref)
  h = jnp.dot(x_ref[...], w_ref[...], preferred_element_type=jnp.float32)
  o_ref[...] = h * dinv


def _tc2_body(agg_ref, hs_ref, deg_ref, b1_ref, g_ref, be_ref, w2_ref, o_ref):
  dinv = _dinv(deg_ref)
  out1 = dinv * agg_ref[...] + (2.0 * dinv) * hs_ref[...] + b1_ref[...]
  mu = jnp.mean(out1, axis=-1, keepdims=True)
  xc = out1 - mu
  var = jnp.mean(xc * xc, axis=-1, keepdims=True)
  hn = xc * lax.rsqrt(var + 1e-5) * g_ref[...] + be_ref[...]
  h = jnp.maximum(hn, 0.0)
  o_ref[...] = jnp.dot(h, w2_ref[...], preferred_element_type=jnp.float32) * dinv


def _tc3_body(agg_ref, hs_ref, deg_ref, b2_ref, o_ref):
  dinv = _dinv(deg_ref)
  nc = o_ref.shape[-1]
  a = agg_ref[:, :nc] + agg_ref[:, nc:]
  o = dinv * a + (2.0 * dinv) * hs_ref[:, :nc] + b2_ref[...]
  m = jnp.max(o, axis=-1, keepdims=True)
  z = o - m
  lse = jnp.log(jnp.sum(jnp.exp(z), axis=-1, keepdims=True))
  o_ref[...] = z - lse


def kernel(x, edge_index, train_mask, W1, b1, gamma, beta, W2, b2):
  del train_mask
  n, d = x.shape
  h = W1.shape[1]
  c = W2.shape[1]
  e = edge_index.shape[1]

  per_w = -(-e // (NW * KB)) * KB
  nchunk = per_w // KB
  e_pad = per_w * NW
  rpt = -(-(-(-(n + 1) // NS)) // 8) * 8
  n_pad = rpt * NS
  pad = e_pad - e
  ei_pad = jnp.pad(edge_index, ((0, 0), (0, pad)), constant_values=n)
  h2 = h // 2
  nchunk2 = e_pad // (NS * KB)
  ei32 = ei_pad.reshape(2, NC, NS, nchunk, KB)
  ei16 = ei_pad.reshape(2, NS, nchunk2, KB)

  ones16 = jnp.ones((KB, 16), jnp.float32)
  z16 = jnp.zeros((rpt, 16), jnp.float32)
  zh2 = jnp.zeros((rpt, h2), jnp.float32)
  zc = jnp.zeros((rpt, c), jnp.float32)

  r = 2000
  grid = (n // r,)
  deg = _make_deg_kernel(n_pad, nchunk, rpt)(ei32, ones16, z16)
  hs1 = pl.pallas_call(
      _tc1_body,
      grid=grid,
      in_specs=[
          pl.BlockSpec((r, d), lambda i: (i, 0)),
          pl.BlockSpec((d, h), lambda i: (0, 0)),
          pl.BlockSpec((r, 128), lambda i: (i, 0)),
      ],
      out_specs=pl.BlockSpec((r, h), lambda i: (i, 0)),
      out_shape=jax.ShapeDtypeStruct((n, h), jnp.float32),
  )(x, W1, deg)

  agg1 = _make_split_agg_kernel(n, h2, n_pad, nchunk2, rpt, 3, 2)(
      hs1, ei16, zh2)

  W2p = jnp.pad(W2, ((0, 0), (0, h - c)))
  hs2 = pl.pallas_call(
      _tc2_body,
      grid=grid,
      in_specs=[
          pl.BlockSpec((r, h), lambda i: (i, 0)),
          pl.BlockSpec((r, h), lambda i: (i, 0)),
          pl.BlockSpec((r, 128), lambda i: (i, 0)),
          pl.BlockSpec((1, h), lambda i: (0, 0)),
          pl.BlockSpec((1, h), lambda i: (0, 0)),
          pl.BlockSpec((1, h), lambda i: (0, 0)),
          pl.BlockSpec((h, h), lambda i: (0, 0)),
      ],
      out_specs=pl.BlockSpec((r, h), lambda i: (i, 0)),
      out_shape=jax.ShapeDtypeStruct((n, h), jnp.float32),
  )(agg1, hs1, deg, b1.reshape(1, h), gamma.reshape(1, h), beta.reshape(1, h), W2p)

  agg2 = _make_agg_kernel(n, c, n_pad, nchunk, rpt, 4, 3)(hs2, ei32, zc)

  out = pl.pallas_call(
      _tc3_body,
      grid=grid,
      in_specs=[
          pl.BlockSpec((r, 2 * c), lambda i: (i, 0)),
          pl.BlockSpec((r, h), lambda i: (i, 0)),
          pl.BlockSpec((r, 128), lambda i: (i, 0)),
          pl.BlockSpec((1, c), lambda i: (0, 0)),
      ],
      out_specs=pl.BlockSpec((r, c), lambda i: (i, 0)),
      out_shape=jax.ShapeDtypeStruct((n, c), jnp.float32),
  )(agg2, hs2, deg, b2.reshape(1, c))

  return out

# --- scband reference (transcript-rebuilt; emitter-appended) ---
"""Pipeline reference for scband-net-15109694947959 (READ-ONLY COPY).

The authoritative reference and input builder live on the scoring server;
editing this copy changes nothing except your own understanding.
"""

import jax, jax.numpy as jnp
import numpy as np

N = 10000
E = 160000
D = 256
H = 128
C = 64


def setup_inputs(seed: int = 0) -> dict:
    key = jax.random.key(seed)
    ks = jax.random.split(key, 8)
    x = jax.random.normal(ks[0], (N, D), dtype=jnp.float32)
    edge_index = jax.random.randint(ks[1], (2, E), 0, N, dtype=jnp.int32)
    train_mask = jnp.zeros((N,), dtype=bool)
    W1 = jax.random.normal(ks[2], (D, H), dtype=jnp.float32) * (1.0 / np.sqrt(D))
    b1 = jnp.zeros((H,), dtype=jnp.float32)
    gamma = jnp.ones((H,), dtype=jnp.float32)
    beta = jnp.zeros((H,), dtype=jnp.float32)
    W2 = jax.random.normal(ks[3], (H, C), dtype=jnp.float32) * (1.0 / np.sqrt(H))
    b2 = jnp.zeros((C,), dtype=jnp.float32)
    return {"x": x, "edge_index": edge_index, "train_mask": train_mask,
            "W1": W1, "b1": b1, "gamma": gamma, "beta": beta, "W2": W2, "b2": b2}


def _gcn_conv_improved(x, W, b, src, dst, n_nodes):
    # GCNConv with improved=True: A_hat = A + 2I, sym-normalized
    h = x @ W
    deg = jnp.zeros((n_nodes,), dtype=h.dtype).at[dst].add(1.0) + 2.0
    dinv = jax.lax.rsqrt(deg)
    norm = dinv[src] * dinv[dst]
    out = jnp.zeros_like(h).at[dst].add(h[src] * norm[:, None])
    # self-loop contribution with edge weight 2
    out = out + h * (2.0 * dinv * dinv)[:, None]
    return out + b


def reference(x, edge_index, train_mask, W1, b1, gamma, beta, W2, b2):
    src = edge_index[0]
    dst = edge_index[1]
    n = x.shape[0]
    # CRD: GCNConv -> LayerNorm -> ReLU -> Dropout(p=0.0, identity)
    h = _gcn_conv_improved(x, W1, b1, src, dst, n)
    mu = jnp.mean(h, axis=-1, keepdims=True)
    var = jnp.var(h, axis=-1, keepdims=True)
    h = (h - mu) * jax.lax.rsqrt(var + 1e-5) * gamma + beta
    h = jax.nn.relu(h)
    # CLS: GCNConv -> log_softmax
    o = _gcn_conv_improved(h, W2, b2, src, dst, n)
    return jax.nn.log_softmax(o, axis=1)

if __name__ == "__main__":
    import jax
    _d = setup_inputs()
    print(jax.jit(kernel)(*tuple(_d.values())))

</pallas_src>

<mosaic_0001>
#map = affine_map<(d0, d1) -> (0, 0, 0, 0, 0)>
#map1 = affine_map<(d0, d1) -> (0, 0)>
module attributes {stable_mosaic.version = 14 : i64} {
  func.func @deg_kernel(%arg0: i32, %arg1: i32, %arg2: memref<2x2x16x40x128xi32, #tpu.memory_space<hbm>>, %arg3: memref<128x16xf32, #tpu.memory_space<hbm>>, %arg4: memref<632x16xf32, #tpu.memory_space<hbm>>, %arg5: memref<10112x128xf32, #tpu.memory_space<hbm>>, %arg6: memref<40x128xi32, #tpu.memory_space<vmem>>, %arg7: memref<128x16xf32, #tpu.memory_space<vmem>>, %arg8: memref<10112x16xf32, #tpu.memory_space<vmem_shared>>, %arg9: memref<!tpu.dma_semaphore, #tpu.memory_space<semaphore_mem>>) attributes {dimension_semantics = [#tpu.dimension_semantics<core_parallel>, #tpu.dimension_semantics<subcore_parallel>], iteration_bounds = array<i64: 2, 16>, scalar_prefetch = 0 : i64, scratch_operands = 4 : i64, tpu.core_type = #tpu.core_type<sc_vector_subcore>, window_params = [{transform_indices = #map}, {transform_indices = #map1}, {transform_indices = #map1}, {transform_indices = #map1}]} {
    %run_scoped3A = arith.constant 1 : i32
    "tpu.region"() ({
      %run_scoped3A_39 = tpu.sem_alloc : memref<!tpu.dma_semaphore, #tpu.memory_space<semaphore_mem>>
      %dma_start3A = arith.constant 0 : i32
      %dma_start3A_40 = arith.constant 0 : i32
      %dma_start3A_41 = tpu.memref_slice %arg2[%run_scoped3A, %arg0, %arg1, %dma_start3A, %dma_start3A_40] : memref<2x2x16x40x128xi32, #tpu.memory_space<hbm>> -> memref<1x1x1x40x128xi32, #tpu.memory_space<hbm>>
      %dma_start3A_42 = tpu.memref_squeeze %dma_start3A_41 : memref<1x1x1x40x128xi32, #tpu.memory_space<hbm>> -> memref<40x128xi32, #tpu.memory_space<hbm>>
      %dma_start3A_43 = arith.constant 0 : i32
      %dma_start3A_44 = arith.constant 0 : i32
      %dma_start3A_45 = tpu.memref_slice %arg2[%run_scoped3A, %arg0, %arg1, %dma_start3A_43, %dma_start3A_44] : memref<2x2x16x40x128xi32, #tpu.memory_space<hbm>> -> memref<1x1x1x40x128xi32, #tpu.memory_space<hbm>>
      %dma_start3A_46 = tpu.memref_squeeze %dma_start3A_45 : memref<1x1x1x40x128xi32, #tpu.memory_space<hbm>> -> memref<40x128xi32, #tpu.memory_space<hbm>>
      tpu.enqueue_dma source(%dma_start3A_46 : memref<40x128xi32, #tpu.memory_space<hbm>>) target(%arg6 : memref<40x128xi32, #tpu.memory_space<vmem>>) target_semaphore(%run_scoped3A_39 : memref<!tpu.dma_semaphore, #tpu.memory_space<semaphore_mem>>)
      %dma_wait3A_47 = arith.constant 0 : i32
      %dma_wait3A_48 = arith.constant 0 : i32
      %dma_wait3A_49 = tpu.memref_slice %arg2[%run_scoped3A, %arg0, %arg1, %dma_wait3A_47, %dma_wait3A_48] : memref<2x2x16x40x128xi32, #tpu.memory_space<hbm>> -> memref<1x1x1x40x128xi32, #tpu.memory_space<hbm>>
      %dma_wait3A_50 = tpu.memref_squeeze %dma_wait3A_49 : memref<1x1x1x40x128xi32, #tpu.memory_space<hbm>> -> memref<40x128xi32, #tpu.memory_space<hbm>>
      %dma_wait3A_51 = arith.constant 0 : i32
      %dma_wait3A_52 = arith.constant 0 : i32
      %dma_wait3A_53 = tpu.memref_slice %arg2[%run_scoped3A, %arg0, %arg1, %dma_wait3A_51, %dma_wait3A_52] : memref<2x2x16x40x128xi32, #tpu.memory_space<hbm>> -> memref<1x1x1x40x128xi32, #tpu.memory_space<hbm>>
      %dma_wait3A_54 = tpu.memref_squeeze %dma_wait3A_53 : memref<1x1x1x40x128xi32, #tpu.memory_space<hbm>> -> memref<40x128xi32, #tpu.memory_space<hbm>>
      tpu.wait_dma2 semaphore(%run_scoped3A_39 : memref<!tpu.dma_semaphore, #tpu.memory_space<semaphore_mem>>) src(%dma_wait3A_54 : memref<40x128xi32, #tpu.memory_space<hbm>>) dst(%arg6 : memref<40x128xi32, #tpu.memory_space<vmem>>)
      tpu.yield
    }) : () -> ()
    "tpu.region"() ({
      %run_scoped3A_39 = tpu.sem_alloc : memref<!tpu.dma_semaphore, #tpu.memory_space<semaphore_mem>>
      tpu.enqueue_dma source(%arg3 : memref<128x16xf32, #tpu.memory_space<hbm>>) target(%arg7 : memref<128x16xf32, #tpu.memory_space<vmem>>) target_semaphore(%run_scoped3A_39 : memref<!tpu.dma_semaphore, #tpu.memory_space<semaphore_mem>>)
      tpu.wait_dma2 semaphore(%run_scoped3A_39 : memref<!tpu.dma_semaphore, #tpu.memory_space<semaphore_mem>>) src(%arg3 : memref<128x16xf32, #tpu.memory_space<hbm>>) dst(%arg7 : memref<128x16xf32, #tpu.memory_space<vmem>>)
      tpu.yield
    }) : () -> ()
    %mul3A = arith.constant 632 : i32
    %mul3A_0 = arith.muli %arg1, %mul3A : i32
    "tpu.region"() ({
      %run_scoped3A_39 = tpu.sem_alloc : memref<!tpu.dma_semaphore, #tpu.memory_space<semaphore_mem>>
      %dma_start3A = arith.constant 0 : i32
      %dma_start3A_40 = tpu.memref_slice %arg8[%mul3A_0, %dma_start3A] : memref<10112x16xf32, #tpu.memory_space<vmem_shared>> -> memref<632x16xf32, #tpu.memory_space<vmem_shared>>
      tpu.enqueue_dma source(%arg4 : memref<632x16xf32, #tpu.memory_space<hbm>>) target(%dma_start3A_40 : memref<632x16xf32, #tpu.memory_space<vmem_shared>>) target_semaphore(%run_scoped3A_39 : memref<!tpu.dma_semaphore, #tpu.memory_space<semaphore_mem>>)
      %dma_wait3A_41 = arith.constant 0 : i32
      %dma_wait3A_42 = tpu.memref_slice %arg8[%mul3A_0, %dma_wait3A_41] : memref<10112x16xf32, #tpu.memory_space<vmem_shared>> -> memref<632x16xf32, #tpu.memory_space<vmem_shared>>
      tpu.wait_dma2 semaphore(%run_scoped3A_39 : memref<!tpu.dma_semaphore, #tpu.memory_space<semaphore_mem>>) src(%arg4 : memref<632x16xf32, #tpu.memory_space<hbm>>) dst(%dma_wait3A_42 : memref<632x16xf32, #tpu.memory_space<vmem_shared>>)
      tpu.yield
    }) : () -> ()
    %barrier3A = arith.constant 0 : index
    tpu.barrier barrier_id(%barrier3A)
    %scan3A = arith.constant 0 : i32
    %scan3A_1 = arith.constant 40 : i32
    %scan3A_2 = arith.addi %scan3A, %scan3A_1 : i32
    %scan3A_3 = arith.constant 1 : i32
    scf.for %scan3A_39 = %scan3A to %scan3A_2 step %scan3A_3  : i32 {
      %mul3A_40 = arith.constant 1 : i32
      %mul3A_41 = arith.muli %scan3A_39, %mul3A_40 : i32
      %add3A = arith.constant 0 : i32
      %add3A_42 = arith.addi %add3A, %mul3A_41 : i32
      %dma_start3A = arith.constant 0 : i32
      %dma_start3A_43 = tpu.memref_slice %arg6[%add3A_42, %dma_start3A] : memref<40x128xi32, #tpu.memory_space<vmem>> -> memref<1x128xi32, #tpu.memory_space<vmem>>
      %dma_start3A_44 = tpu.memref_squeeze %dma_start3A_43 : memref<1x128xi32, #tpu.memory_space<vmem>> -> memref<128xi32, #tpu.memory_space<vmem>>
      %dma_start3A_45 = arith.constant 0 : i32
      %dma_start3A_46 = arith.constant 0 : i32
      %dma_start3A_47 = tpu.memref_slice %arg8[%dma_start3A_45, %dma_start3A_46] : memref<10112x16xf32, #tpu.memory_space<vmem_shared>> -> memref<10112x16xf32, #tpu.memory_space<vmem_shared>>
      tpu.enqueue_indirect_dma source(%arg7 : memref<128x16xf32, #tpu.memory_space<vmem>>) target(%dma_start3A_47 : memref<10112x16xf32, #tpu.memory_space<vmem_shared>>) offsets(%dma_start3A_44 : memref<128xi32, #tpu.memory_space<vmem>>) semaphore(%arg9 : memref<!tpu.dma_semaphore, #tpu.memory_space<semaphore_mem>>) {add = true}
      %ge3A = arith.constant 4 : i32
      %ge3A_48 = arith.cmpi sge, %add3A_42, %ge3A : i32
      %convert_element_type3A = arith.extui %ge3A_48 : i1 to i32
      %cond3A = arith.constant 0 : i32
      %cond3A_49 = arith.cmpi ne, %convert_element_type3A, %cond3A : i32
      scf.if %cond3A_49 {
        %sub3A = arith.constant 4 : i32
        %sub3A_50 = arith.subi %add3A_42, %sub3A : i32
        %dma_wait3A_51 = arith.constant 0 : i32
        %dma_wait3A_52 = tpu.memref_slice %arg6[%sub3A_50, %dma_wait3A_51] : memref<40x128xi32, #tpu.memory_space<vmem>> -> memref<1x128xi32, #tpu.memory_space<vmem>>
        %dma_wait3A_53 = tpu.memref_squeeze %dma_wait3A_52 : memref<1x128xi32, #tpu.memory_space<vmem>> -> memref<128xi32, #tpu.memory_space<vmem>>
        %dma_wait3A_54 = arith.constant 0 : i32
        %dma_wait3A_55 = arith.constant 0 : i32
        %dma_wait3A_56 = tpu.memref_slice %arg8[%dma_wait3A_54, %dma_wait3A_55] : memref<10112x16xf32, #tpu.memory_space<vmem_shared>> -> memref<10112x16xf32, #tpu.memory_space<vmem_shared>>
        tpu.wait_indirect_dma semaphore(%arg9 : memref<!tpu.dma_semaphore, #tpu.memory_space<semaphore_mem>>) src(%arg7 : memref<128x16xf32, #tpu.memory_space<vmem>>) dst(%dma_wait3A_56 : memref<10112x16xf32, #tpu.memory_space<vmem_shared>>)
      } else {
      }
    }
    %scan3A_4 = arith.constant 40 : i32
    %dma_wait3A = arith.constant 36 : i32
    %dma_wait3A_5 = arith.constant 0 : i32
    %dma_wait3A_6 = tpu.memref_slice %arg6[%dma_wait3A, %dma_wait3A_5] : memref<40x128xi32, #tpu.memory_space<vmem>> -> memref<1x128xi32, #tpu.memory_space<vmem>>
    %dma_wait3A_7 = tpu.memref_squeeze %dma_wait3A_6 : memref<1x128xi32, #tpu.memory_space<vmem>> -> memref<128xi32, #tpu.memory_space<vmem>>
    %dma_wait3A_8 = arith.constant 0 : i32
    %dma_wait3A_9 = arith.constant 0 : i32
    %dma_wait3A_10 = tpu.memref_slice %arg8[%dma_wait3A_8, %dma_wait3A_9] : memref<10112x16xf32, #tpu.memory_space<vmem_shared>> -> memref<10112x16xf32, #tpu.memory_space<vmem_shared>>
    tpu.wait_indirect_dma semaphore(%arg9 : memref<!tpu.dma_semaphore, #tpu.memory_space<semaphore_mem>>) src(%arg7 : memref<128x16xf32, #tpu.memory_space<vmem>>) dst(%dma_wait3A_10 : memref<10112x16xf32, #tpu.memory_space<vmem_shared>>)
    %dma_wait3A_11 = arith.constant 37 : i32
    %dma_wait3A_12 = arith.constant 0 : i32
    %dma_wait3A_13 = tpu.memref_slice %arg6[%dma_wait3A_11, %dma_wait3A_12] : memref<40x128xi32, #tpu.memory_space<vmem>> -> memref<1x128xi32, #tpu.memory_space<vmem>>
    %dma_wait3A_14 = tpu.memref_squeeze %dma_wait3A_13 : memref<1x128xi32, #tpu.memory_space<vmem>> -> memref<128xi32, #tpu.memory_space<vmem>>
    %dma_wait3A_15 = arith.constant 0 : i32
    %dma_wait3A_16 = arith.constant 0 : i32
    %dma_wait3A_17 = tpu.memref_slice %arg8[%dma_wait3A_15, %dma_wait3A_16] : memref<10112x16xf32, #tpu.memory_space<vmem_shared>> -> memref<10112x16xf32, #tpu.memory_space<vmem_shared>>
    tpu.wait_indirect_dma semaphore(%arg9 : memref<!tpu.dma_semaphore, #tpu.memory_space<semaphore_mem>>) src(%arg7 : memref<128x16xf32, #tpu.memory_space<vmem>>) dst(%dma_wait3A_17 : memref<10112x16xf32, #tpu.memory_space<vmem_shared>>)
    %dma_wait3A_18 = arith.constant 38 : i32
    %dma_wait3A_19 = arith.constant 0 : i32
    %dma_wait3A_20 = tpu.memref_slice %arg6[%dma_wait3A_18, %dma_wait3A_19] : memref<40x128xi32, #tpu.memory_space<vmem>> -> memref<1x128xi32, #tpu.memory_space<vmem>>
    %dma_wait3A_21 = tpu.memref_squeeze %dma_wait3A_20 : memref<1x128xi32, #tpu.memory_space<vmem>> -> memref<128xi32, #tpu.memory_space<vmem>>
    %dma_wait3A_22 = arith.constant 0 : i32
    %dma_wait3A_23 = arith.constant 0 : i32
    %dma_wait3A_24 = tpu.memref_slice %arg8[%dma_wait3A_22, %dma_wait3A_23] : memref<10112x16xf32, #tpu.memory_space<vmem_shared>> -> memref<10112x16xf32, #tpu.memory_space<vmem_shared>>
    tpu.wait_indirect_dma semaphore(%arg9 : memref<!tpu.dma_semaphore, #tpu.memory_space<semaphore_mem>>) src(%arg7 : memref<128x16xf32, #tpu.memory_space<vmem>>) dst(%dma_wait3A_24 : memref<10112x16xf32, #tpu.memory_space<vmem_shared>>)
    %dma_wait3A_25 = arith.constant 39 : i32
    %dma_wait3A_26 = arith.constant 0 : i32
    %dma_wait3A_27 = tpu.memref_slice %arg6[%dma_wait3A_25, %dma_wait3A_26] : memref<40x128xi32, #tpu.memory_space<vmem>> -> memref<1x128xi32, #tpu.memory_space<vmem>>
    %dma_wait3A_28 = tpu.memref_squeeze %dma_wait3A_27 : memref<1x128xi32, #tpu.memory_space<vmem>> -> memref<128xi32, #tpu.memory_space<vmem>>
    %dma_wait3A_29 = arith.constant 0 : i32
    %dma_wait3A_30 = arith.constant 0 : i32
    %dma_wait3A_31 = tpu.memref_slice %arg8[%dma_wait3A_29, %dma_wait3A_30] : memref<10112x16xf32, #tpu.memory_space<vmem_shared>> -> memref<10112x16xf32, #tpu.memory_space<vmem_shared>>
    tpu.wait_indirect_dma semaphore(%arg9 : memref<!tpu.dma_semaphore, #tpu.memory_space<semaphore_mem>>) src(%arg7 : memref<128x16xf32, #tpu.memory_space<vmem>>) dst(%dma_wait3A_31 : memref<10112x16xf32, #tpu.memory_space<vmem_shared>>)
    %barrier3A_32 = arith.constant 0 : index
    tpu.barrier barrier_id(%barrier3A_32)
    %mul3A_33 = arith.constant 632 : i32
    %mul3A_34 = arith.muli %arg1, %mul3A_33 : i32
    %mul3A_35 = arith.constant 632 : i32
    %mul3A_36 = arith.muli %arg1, %mul3A_35 : i32
    %mul3A_37 = arith.constant 16 : i32
    %mul3A_38 = arith.muli %arg0, %mul3A_37 : i32
    "tpu.region"() ({
      %run_scoped3A_39 = tpu.sem_alloc : memref<!tpu.dma_semaphore, #tpu.memory_space<semaphore_mem>>
      %dma_start3A = tpu.memref_slice %arg5[%mul3A_36, %mul3A_38] : memref<10112x128xf32, #tpu.memory_space<hbm>> -> memref<632x16xf32, #tpu.memory_space<hbm>>
      %dma_start3A_40 = arith.constant 0 : i32
      %dma_start3A_41 = tpu.memref_slice %arg8[%mul3A_34, %dma_start3A_40] : memref<10112x16xf32, #tpu.memory_space<vmem_shared>> -> memref<632x16xf32, #tpu.memory_space<vmem_shared>>
      tpu.enqueue_dma source(%dma_start3A_41 : memref<632x16xf32, #tpu.memory_space<vmem_shared>>) target(%dma_start3A : memref<632x16xf32, #tpu.memory_space<hbm>>) target_semaphore(%run_scoped3A_39 : memref<!tpu.dma_semaphore, #tpu.memory_space<semaphore_mem>>)
      %dma_wait3A_42 = tpu.memref_slice %arg5[%mul3A_36, %mul3A_38] : memref<10112x128xf32, #tpu.memory_space<hbm>> -> memref<632x16xf32, #tpu.memory_space<hbm>>
      %dma_wait3A_43 = arith.constant 0 : i32
      %dma_wait3A_44 = tpu.memref_slice %arg8[%mul3A_34, %dma_wait3A_43] : memref<10112x16xf32, #tpu.memory_space<vmem_shared>> -> memref<632x16xf32, #tpu.memory_space<vmem_shared>>
      tpu.wait_dma2 semaphore(%run_scoped3A_39 : memref<!tpu.dma_semaphore, #tpu.memory_space<semaphore_mem>>) src(%dma_wait3A_44 : memref<632x16xf32, #tpu.memory_space<vmem_shared>>) dst(%dma_wait3A_42 : memref<632x16xf32, #tpu.memory_space<hbm>>)
      tpu.yield
    }) : () -> ()
    return
  }
}

#map = affine_map<(d0, d1) -> (0, 0)>
#map1 = affine_map<(d0, d1) -> (0, 0, 0, 0, 0)>
module attributes {stable_mosaic.version = 14 : i64} {
  func.func @agg_kernel(%arg0: i32, %arg1: i32, %arg2: memref<10000x128xf32, #tpu.memory_space<hbm>>, %arg3: memref<2x2x16x40x128xi32, #tpu.memory_space<hbm>>, %arg4: memref<632x64xf32, #tpu.memory_space<hbm>>, %arg5: memref<10112x128xf32, #tpu.memory_space<hbm>>, %arg6: memref<40x128xi32, #tpu.memory_space<vmem>>, %arg7: memref<40x128xi32, #tpu.memory_space<vmem>>, %arg8: memref<512x64xf32, #tpu.memory_space<vmem>>, %arg9: memref<10008x64xf32, #tpu.memory_space<vmem_shared>>, %arg10: memref<10112x64xf32, #tpu.memory_space<vmem_shared>>, %arg11: memref<4x!tpu.dma_semaphore, #tpu.memory_space<semaphore_mem>>, %arg12: memref<4x!tpu.dma_semaphore, #tpu.memory_space<semaphore_mem>>) attributes {dimension_semantics = [#tpu.dimension_semantics<core_parallel>, #tpu.dimension_semantics<subcore_parallel>], iteration_bounds = array<i64: 2, 16>, scalar_prefetch = 0 : i64, scratch_operands = 7 : i64, tpu.core_type = #tpu.core_type<sc_vector_subcore>, window_params = [{transform_indices = #map}, {transform_indices = #map1}, {transform_indices = #map}, {transform_indices = #map}]} {
    %run_scoped3A = arith.constant 0 : i32
    "tpu.region"() ({
      %run_scoped3A_67 = tpu.sem_alloc : memref<!tpu.dma_semaphore, #tpu.memory_space<semaphore_mem>>
      %dma_start3A_68 = arith.constant 0 : i32
      %dma_start3A_69 = arith.constant 0 : i32
      %dma_start3A_70 = tpu.memref_slice %arg3[%run_scoped3A, %arg0, %arg1, %dma_start3A_68, %dma_start3A_69] : memref<2x2x16x40x128xi32, #tpu.memory_space<hbm>> -> memref<1x1x1x40x128xi32, #tpu.memory_space<hbm>>
      %dma_start3A_71 = tpu.memref_squeeze %dma_start3A_70 : memref<1x1x1x40x128xi32, #tpu.memory_space<hbm>> -> memref<40x128xi32, #tpu.memory_space<hbm>>
      %dma_start3A_72 = arith.constant 0 : i32
      %dma_start3A_73 = arith.constant 0 : i32
      %dma_start3A_74 = tpu.memref_slice %arg3[%run_scoped3A, %arg0, %arg1, %dma_start3A_72, %dma_start3A_73] : memref<2x2x16x40x128xi32, #tpu.memory_space<hbm>> -> memref<1x1x1x40x128xi32, #tpu.memory_space<hbm>>
      %dma_start3A_75 = tpu.memref_squeeze %dma_start3A_74 : memref<1x1x1x40x128xi32, #tpu.memory_space<hbm>> -> memref<40x128xi32, #tpu.memory_space<hbm>>
      tpu.enqueue_dma source(%dma_start3A_75 : memref<40x128xi32, #tpu.memory_space<hbm>>) target(%arg6 : memref<40x128xi32, #tpu.memory_space<vmem>>) target_semaphore(%run_scoped3A_67 : memref<!tpu.dma_semaphore, #tpu.memory_space<semaphore_mem>>)
      %dma_wait3A_76 = arith.constant 0 : i32
      %dma_wait3A_77 = arith.constant 0 : i32
      %dma_wait3A_78 = tpu.memref_slice %arg3[%run_scoped3A, %arg0, %arg1, %dma_wait3A_76, %dma_wait3A_77] : memref<2x2x16x40x128xi32, #tpu.memory_space<hbm>> -> memref<1x1x1x40x128xi32, #tpu.memory_space<hbm>>
      %dma_wait3A_79 = tpu.memref_squeeze %dma_wait3A_78 : memref<1x1x1x40x128xi32, #tpu.memory_space<hbm>> -> memref<40x128xi32, #tpu.memory_space<hbm>>
      %dma_wait3A_80 = arith.constant 0 : i32
      %dma_wait3A_81 = arith.constant 0 : i32
      %dma_wait3A_82 = tpu.memref_slice %arg3[%run_scoped3A, %arg0, %arg1, %dma_wait3A_80, %dma_wait3A_81] : memref<2x2x16x40x128xi32, #tpu.memory_space<hbm>> -> memref<1x1x1x40x128xi32, #tpu.memory_space<hbm>>
      %dma_wait3A_83 = tpu.memref_squeeze %dma_wait3A_82 : memref<1x1x1x40x128xi32, #tpu.memory_space<hbm>> -> memref<40x128xi32, #tpu.memory_space<hbm>>
      tpu.wait_dma2 semaphore(%run_scoped3A_67 : memref<!tpu.dma_semaphore, #tpu.memory_space<semaphore_mem>>) src(%dma_wait3A_83 : memref<40x128xi32, #tpu.memory_space<hbm>>) dst(%arg6 : memref<40x128xi32, #tpu.memory_space<vmem>>)
      tpu.yield
    }) : () -> ()
    %run_scoped3A_0 = arith.constant 1 : i32
    "tpu.region"() ({
      %run_scoped3A_67 = tpu.sem_alloc : memref<!tpu.dma_semaphore, #tpu.memory_space<semaphore_mem>>
      %dma_start3A_68 = arith.constant 0 : i32
      %dma_start3A_69 = arith.constant 0 : i32
      %dma_start3A_70 = tpu.memref_slice %arg3[%run_scoped3A_0, %arg0, %arg1, %dma_start3A_68, %dma_start3A_69] : memref<2x2x16x40x128xi32, #tpu.memory_space<hbm>> -> memref<1x1x1x40x128xi32, #tpu.memory_space<hbm>>
      %dma_start3A_71 = tpu.memref_squeeze %dma_start3A_70 : memref<1x1x1x40x128xi32, #tpu.memory_space<hbm>> -> memref<40x128xi32, #tpu.memory_space<hbm>>
      %dma_start3A_72 = arith.constant 0 : i32
      %dma_start3A_73 = arith.constant 0 : i32
      %dma_start3A_74 = tpu.memref_slice %arg3[%run_scoped3A_0, %arg0, %arg1, %dma_start3A_72, %dma_start3A_73] : memref<2x2x16x40x128xi32, #tpu.memory_space<hbm>> -> memref<1x1x1x40x128xi32, #tpu.memory_space<hbm>>
      %dma_start3A_75 = tpu.memref_squeeze %dma_start3A_74 : memref<1x1x1x40x128xi32, #tpu.memory_space<hbm>> -> memref<40x128xi32, #tpu.memory_space<hbm>>
      tpu.enqueue_dma source(%dma_start3A_75 : memref<40x128xi32, #tpu.memory_space<hbm>>) target(%arg7 : memref<40x128xi32, #tpu.memory_space<vmem>>) target_semaphore(%run_scoped3A_67 : memref<!tpu.dma_semaphore, #tpu.memory_space<semaphore_mem>>)
      %dma_wait3A_76 = arith.constant 0 : i32
      %dma_wait3A_77 = arith.constant 0 : i32
      %dma_wait3A_78 = tpu.memref_slice %arg3[%run_scoped3A_0, %arg0, %arg1, %dma_wait3A_76, %dma_wait3A_77] : memref<2x2x16x40x128xi32, #tpu.memory_space<hbm>> -> memref<1x1x1x40x128xi32, #tpu.memory_space<hbm>>
      %dma_wait3A_79 = tpu.memref_squeeze %dma_wait3A_78 : memref<1x1x1x40x128xi32, #tpu.memory_space<hbm>> -> memref<40x128xi32, #tpu.memory_space<hbm>>
      %dma_wait3A_80 = arith.constant 0 : i32
      %dma_wait3A_81 = arith.constant 0 : i32
      %dma_wait3A_82 = tpu.memref_slice %arg3[%run_scoped3A_0, %arg0, %arg1, %dma_wait3A_80, %dma_wait3A_81] : memref<2x2x16x40x128xi32, #tpu.memory_space<hbm>> -> memref<1x1x1x40x128xi32, #tpu.memory_space<hbm>>
      %dma_wait3A_83 = tpu.memref_squeeze %dma_wait3A_82 : memref<1x1x1x40x128xi32, #tpu.memory_space<hbm>> -> memref<40x128xi32, #tpu.memory_space<hbm>>
      tpu.wait_dma2 semaphore(%run_scoped3A_67 : memref<!tpu.dma_semaphore, #tpu.memory_space<semaphore_mem>>) src(%dma_wait3A_83 : memref<40x128xi32, #tpu.memory_space<hbm>>) dst(%arg7 : memref<40x128xi32, #tpu.memory_space<vmem>>)
      tpu.yield
    }) : () -> ()
    %mul3A = arith.constant 625 : i32
    %mul3A_1 = arith.muli %arg1, %mul3A : i32
    %mul3A_2 = arith.constant 625 : i32
    %mul3A_3 = arith.muli %arg1, %mul3A_2 : i32
    "tpu.region"() ({
      %run_scoped3A_67 = tpu.sem_alloc : memref<!tpu.dma_semaphore, #tpu.memory_space<semaphore_mem>>
      %dma_start3A_68 = arith.constant 0 : i32
      %dma_start3A_69 = tpu.memref_slice %arg9[%mul3A_3, %dma_start3A_68] : memref<10008x64xf32, #tpu.memory_space<vmem_shared>> -> memref<625x64xf32, #tpu.memory_space<vmem_shared>>
      %dma_start3A_70 = arith.constant 0 : i32
      %dma_start3A_71 = tpu.memref_slice %arg2[%mul3A_1, %dma_start3A_70] : memref<10000x128xf32, #tpu.memory_space<hbm>> -> memref<625x64xf32, #tpu.memory_space<hbm>>
      tpu.enqueue_dma source(%dma_start3A_71 : memref<625x64xf32, #tpu.memory_space<hbm>>) target(%dma_start3A_69 : memref<625x64xf32, #tpu.memory_space<vmem_shared>>) target_semaphore(%run_scoped3A_67 : memref<!tpu.dma_semaphore, #tpu.memory_space<semaphore_mem>>)
      %dma_wait3A_72 = arith.constant 0 : i32
      %dma_wait3A_73 = tpu.memref_slice %arg9[%mul3A_3, %dma_wait3A_72] : memref<10008x64xf32, #tpu.memory_space<vmem_shared>> -> memref<625x64xf32, #tpu.memory_space<vmem_shared>>
      %dma_wait3A_74 = arith.constant 0 : i32
      %dma_wait3A_75 = tpu.memref_slice %arg2[%mul3A_1, %dma_wait3A_74] : memref<10000x128xf32, #tpu.memory_space<hbm>> -> memref<625x64xf32, #tpu.memory_space<hbm>>
      tpu.wait_dma2 semaphore(%run_scoped3A_67 : memref<!tpu.dma_semaphore, #tpu.memory_space<semaphore_mem>>) src(%dma_wait3A_75 : memref<625x64xf32, #tpu.memory_space<hbm>>) dst(%dma_wait3A_73 : memref<625x64xf32, #tpu.memory_space<vmem_shared>>)
      tpu.yield
    }) : () -> ()
    %mul3A_4 = arith.constant 632 : i32
    %mul3A_5 = arith.muli %arg1, %mul3A_4 : i32
    "tpu.region"() ({
      %run_scoped3A_67 = tpu.sem_alloc : memref<!tpu.dma_semaphore, #tpu.memory_space<semaphore_mem>>
      %dma_start3A_68 = arith.constant 0 : i32
      %dma_start3A_69 = tpu.memref_slice %arg10[%mul3A_5, %dma_start3A_68] : memref<10112x64xf32, #tpu.memory_space<vmem_shared>> -> memref<632x64xf32, #tpu.memory_space<vmem_shared>>
      tpu.enqueue_dma source(%arg4 : memref<632x64xf32, #tpu.memory_space<hbm>>) target(%dma_start3A_69 : memref<632x64xf32, #tpu.memory_space<vmem_shared>>) target_semaphore(%run_scoped3A_67 : memref<!tpu.dma_semaphore, #tpu.memory_space<semaphore_mem>>)
      %dma_wait3A_70 = arith.constant 0 : i32
      %dma_wait3A_71 = tpu.memref_slice %arg10[%mul3A_5, %dma_wait3A_70] : memref<10112x64xf32, #tpu.memory_space<vmem_shared>> -> memref<632x64xf32, #tpu.memory_space<vmem_shared>>
      tpu.wait_dma2 semaphore(%run_scoped3A_67 : memref<!tpu.dma_semaphore, #tpu.memory_space<semaphore_mem>>) src(%arg4 : memref<632x64xf32, #tpu.memory_space<hbm>>) dst(%dma_wait3A_71 : memref<632x64xf32, #tpu.memory_space<vmem_shared>>)
      tpu.yield
    }) : () -> ()
    %barrier3A = arith.constant 0 : index
    tpu.barrier barrier_id(%barrier3A)
    %dma_start3A = arith.constant 0 : i32
    %dma_start3A_6 = arith.constant 0 : i32
    %dma_start3A_7 = arith.constant 0 : i32
    %dma_start3A_8 = arith.constant 0 : i32
    %dma_start3A_9 = tpu.memref_slice %arg8[%dma_start3A_7, %dma_start3A_8] : memref<512x64xf32, #tpu.memory_space<vmem>> -> memref<128x64xf32, #tpu.memory_space<vmem>>
    %dma_start3A_10 = arith.constant 0 : i32
    %dma_start3A_11 = tpu.memref_slice %arg6[%dma_start3A, %dma_start3A_10] : memref<40x128xi32, #tpu.memory_space<vmem>> -> memref<1x128xi32, #tpu.memory_space<vmem>>
    %dma_start3A_12 = tpu.memref_squeeze %dma_start3A_11 : memref<1x128xi32, #tpu.memory_space<vmem>> -> memref<128xi32, #tpu.memory_space<vmem>>
    %dma_start3A_13 = arith.constant 0 : i32
    %dma_start3A_14 = arith.constant 0 : i32
    %dma_start3A_15 = tpu.memref_slice %arg9[%dma_start3A_13, %dma_start3A_14] : memref<10008x64xf32, #tpu.memory_space<vmem_shared>> -> memref<10008x64xf32, #tpu.memory_space<vmem_shared>>
    %dma_start3A_16 = tpu.memref_slice %arg11[%dma_start3A_6] : memref<4x!tpu.dma_semaphore, #tpu.memory_space<semaphore_mem>> -> memref<1x!tpu.dma_semaphore, #tpu.memory_space<semaphore_mem>>
    %dma_start3A_17 = tpu.memref_squeeze %dma_start3A_16 : memref<1x!tpu.dma_semaphore, #tpu.memory_space<semaphore_mem>> -> memref<!tpu.dma_semaphore, #tpu.memory_space<semaphore_mem>>
    tpu.enqueue_indirect_dma source(%dma_start3A_15 : memref<10008x64xf32, #tpu.memory_space<vmem_shared>>) target(%dma_start3A_9 : memref<128x64xf32, #tpu.memory_space<vmem>>) offsets(%dma_start3A_12 : memref<128xi32, #tpu.memory_space<vmem>>) semaphore(%dma_start3A_17 : memref<!tpu.dma_semaphore, #tpu.memory_space<semaphore_mem>>)
    %dma_start3A_18 = arith.constant 1 : i32
    %dma_start3A_19 = arith.constant 1 : i32
    %dma_start3A_20 = arith.constant 128 : i32
    %dma_start3A_21 = arith.constant 0 : i32
    %dma_start3A_22 = tpu.memref_slice %arg8[%dma_start3A_20, %dma_start3A_21] : memref<512x64xf32, #tpu.memory_space<vmem>> -> memref<128x64xf32, #tpu.memory_space<vmem>>
    %dma_start3A_23 = arith.constant 0 : i32
    %dma_start3A_24 = tpu.memref_slice %arg6[%dma_start3A_18, %dma_start3A_23] : memref<40x128xi32, #tpu.memory_space<vmem>> -> memref<1x128xi32, #tpu.memory_space<vmem>>
    %dma_start3A_25 = tpu.memref_squeeze %dma_start3A_24 : memref<1x128xi32, #tpu.memory_space<vmem>> -> memref<128xi32, #tpu.memory_space<vmem>>
    %dma_start3A_26 = arith.constant 0 : i32
    %dma_start3A_27 = arith.constant 0 : i32
    %dma_start3A_28 = tpu.memref_slice %arg9[%dma_start3A_26, %dma_start3A_27] : memref<10008x64xf32, #tpu.memory_space<vmem_shared>> -> memref<10008x64xf32, #tpu.memory_space<vmem_shared>>
    %dma_start3A_29 = tpu.memref_slice %arg11[%dma_start3A_19] : memref<4x!tpu.dma_semaphore, #tpu.memory_space<semaphore_mem>> -> memref<1x!tpu.dma_semaphore, #tpu.memory_space<semaphore_mem>>
    %dma_start3A_30 = tpu.memref_squeeze %dma_start3A_29 : memref<1x!tpu.dma_semaphore, #tpu.memory_space<semaphore_mem>> -> memref<!tpu.dma_semaphore, #tpu.memory_space<semaphore_mem>>
    tpu.enqueue_indirect_dma source(%dma_start3A_28 : memref<10008x64xf32, #tpu.memory_space<vmem_shared>>) target(%dma_start3A_22 : memref<128x64xf32, #tpu.memory_space<vmem>>) offsets(%dma_start3A_25 : memref<128xi32, #tpu.memory_space<vmem>>) semaphore(%dma_start3A_30 : memref<!tpu.dma_semaphore, #tpu.memory_space<semaphore_mem>>)
    %dma_start3A_31 = arith.constant 2 : i32
    %dma_start3A_32 = arith.constant 2 : i32
    %dma_start3A_33 = arith.constant 256 : i32
    %dma_start3A_34 = arith.constant 0 : i32
    %dma_start3A_35 = tpu.memref_slice %arg8[%dma_start3A_33, %dma_start3A_34] : memref<512x64xf32, #tpu.memory_space<vmem>> -> memref<128x64xf32, #tpu.memory_space<vmem>>
    %dma_start3A_36 = arith.constant 0 : i32
    %dma_start3A_37 = tpu.memref_slice %arg6[%dma_start3A_31, %dma_start3A_36] : memref<40x128xi32, #tpu.memory_space<vmem>> -> memref<1x128xi32, #tpu.memory_space<vmem>>
    %dma_start3A_38 = tpu.memref_squeeze %dma_start3A_37 : memref<1x128xi32, #tpu.memory_space<vmem>> -> memref<128xi32, #tpu.memory_space<vmem>>
    %dma_start3A_39 = arith.constant 0 : i32
    %dma_start3A_40 = arith.constant 0 : i32
    %dma_start3A_41 = tpu.memref_slice %arg9[%dma_start3A_39, %dma_start3A_40] : memref<10008x64xf32, #tpu.memory_space<vmem_shared>> -> memref<10008x64xf32, #tpu.memory_space<vmem_shared>>
    %dma_start3A_42 = tpu.memref_slice %arg11[%dma_start3A_32] : memref<4x!tpu.dma_semaphore, #tpu.memory_space<semaphore_mem>> -> memref<1x!tpu.dma_semaphore, #tpu.memory_space<semaphore_mem>>
    %dma_start3A_43 = tpu.memref_squeeze %dma_start3A_42 : memref<1x!tpu.dma_semaphore, #tpu.memory_space<semaphore_mem>> -> memref<!tpu.dma_semaphore, #tpu.memory_space<semaphore_mem>>
    tpu.enqueue_indirect_dma source(%dma_start3A_41 : memref<10008x64xf32, #tpu.memory_space<vmem_shared>>) target(%dma_start3A_35 : memref<128x64xf32, #tpu.memory_space<vmem>>) offsets(%dma_start3A_38 : memref<128xi32, #tpu.memory_space<vmem>>) semaphore(%dma_start3A_43 : memref<!tpu.dma_semaphore, #tpu.memory_space<semaphore_mem>>)
    %scan3A = arith.constant 0 : i32
    %scan3A_44 = arith.constant 40 : i32
    %scan3A_45 = arith.addi %scan3A, %scan3A_44 : i32
    %scan3A_46 = arith.constant 1 : i32
    scf.for %scan3A_67 = %scan3A to %scan3A_45 step %scan3A_46  : i32 {
      %mul3A_68 = arith.constant 1 : i32
      %mul3A_69 = arith.muli %scan3A_67, %mul3A_68 : i32
      %add3A = arith.constant 0 : i32
      %add3A_70 = arith.addi %add3A, %mul3A_69 : i32
      %rem3A = arith.constant 4 : i32
      %rem3A_71 = arith.remsi %add3A_70, %rem3A : i32
      %mul3A_72 = arith.constant 128 : i32
      %mul3A_73 = arith.muli %rem3A_71, %mul3A_72 : i32
      %dma_wait3A_74 = arith.constant 0 : i32
      %dma_wait3A_75 = tpu.memref_slice %arg8[%mul3A_73, %dma_wait3A_74] : memref<512x64xf32, #tpu.memory_space<vmem>> -> memref<128x64xf32, #tpu.memory_space<vmem>>
      %dma_wait3A_76 = arith.constant 0 : i32
      %dma_wait3A_77 = tpu.memref_slice %arg6[%add3A_70, %dma_wait3A_76] : memref<40x128xi32, #tpu.memory_space<vmem>> -> memref<1x128xi32, #tpu.memory_space<vmem>>
      %dma_wait3A_78 = tpu.memref_squeeze %dma_wait3A_77 : memref<1x128xi32, #tpu.memory_space<vmem>> -> memref<128xi32, #tpu.memory_space<vmem>>
      %dma_wait3A_79 = arith.constant 0 : i32
      %dma_wait3A_80 = arith.constant 0 : i32
      %dma_wait3A_81 = tpu.memref_slice %arg9[%dma_wait3A_79, %dma_wait3A_80] : memref<10008x64xf32, #tpu.memory_space<vmem_shared>> -> memref<10008x64xf32, #tpu.memory_space<vmem_shared>>
      %dma_wait3A_82 = tpu.memref_slice %arg11[%rem3A_71] : memref<4x!tpu.dma_semaphore, #tpu.memory_space<semaphore_mem>> -> memref<1x!tpu.dma_semaphore, #tpu.memory_space<semaphore_mem>>
      %dma_wait3A_83 = tpu.memref_squeeze %dma_wait3A_82 : memref<1x!tpu.dma_semaphore, #tpu.memory_space<semaphore_mem>> -> memref<!tpu.dma_semaphore, #tpu.memory_space<semaphore_mem>>
      tpu.wait_indirect_dma semaphore(%dma_wait3A_83 : memref<!tpu.dma_semaphore, #tpu.memory_space<semaphore_mem>>) src(%dma_wait3A_81 : memref<10008x64xf32, #tpu.memory_space<vmem_shared>>) dst(%dma_wait3A_75 : memref<128x64xf32, #tpu.memory_space<vmem>>)
      %mul3A_84 = arith.constant 128 : i32
      %mul3A_85 = arith.muli %rem3A_71, %mul3A_84 : i32
      %dma_start3A_86 = arith.constant 0 : i32
      %dma_start3A_87 = tpu.memref_slice %arg8[%mul3A_85, %dma_start3A_86] : memref<512x64xf32, #tpu.memory_space<vmem>> -> memref<128x64xf32, #tpu.memory_space<vmem>>
      %dma_start3A_88 = arith.constant 0 : i32
      %dma_start3A_89 = tpu.memref_slice %arg7[%add3A_70, %dma_start3A_88] : memref<40x128xi32, #tpu.memory_space<vmem>> -> memref<1x128xi32, #tpu.memory_space<vmem>>
      %dma_start3A_90 = tpu.memref_squeeze %dma_start3A_89 : memref<1x128xi32, #tpu.memory_space<vmem>> -> memref<128xi32, #tpu.memory_space<vmem>>
      %dma_start3A_91 = arith.constant 0 : i32
      %dma_start3A_92 = arith.constant 0 : i32
      %dma_start3A_93 = tpu.memref_slice %arg10[%dma_start3A_91, %dma_start3A_92] : memref<10112x64xf32, #tpu.memory_space<vmem_shared>> -> memref<10112x64xf32, #tpu.memory_space<vmem_shared>>
      %dma_start3A_94 = tpu.memref_slice %arg12[%rem3A_71] : memref<4x!tpu.dma_semaphore, #tpu.memory_space<semaphore_mem>> -> memref<1x!tpu.dma_semaphore, #tpu.memory_space<semaphore_mem>>
      %dma_start3A_95 = tpu.memref_squeeze %dma_start3A_94 : memref<1x!tpu.dma_semaphore, #tpu.memory_space<semaphore_mem>> -> memref<!tpu.dma_semaphore, #tpu.memory_space<semaphore_mem>>
      tpu.enqueue_indirect_dma source(%dma_start3A_87 : memref<128x64xf32, #tpu.memory_space<vmem>>) target(%dma_start3A_93 : memref<10112x64xf32, #tpu.memory_space<vmem_shared>>) offsets(%dma_start3A_90 : memref<128xi32, #tpu.memory_space<vmem>>) semaphore(%dma_start3A_95 : memref<!tpu.dma_semaphore, #tpu.memory_space<semaphore_mem>>) {add = true}
      %add3A_96 = arith.constant 3 : i32
      %add3A_97 = arith.addi %add3A_70, %add3A_96 : i32
      %ge3A = arith.constant 4 : i32
      %ge3A_98 = arith.cmpi sge, %add3A_97, %ge3A : i32
      %convert_element_type3A = arith.extui %ge3A_98 : i1 to i32
      %cond3A = arith.constant 0 : i32
      %cond3A_99 = arith.cmpi ne, %convert_element_type3A, %cond3A : i32
      scf.if %cond3A_99 {
        %add3A_106 = arith.constant 3 : i32
        %add3A_107 = arith.addi %add3A_70, %add3A_106 : i32
        %sub3A = arith.constant 4 : i32
        %sub3A_108 = arith.subi %add3A_107, %sub3A : i32
        %add3A_109 = arith.constant 3 : i32
        %add3A_110 = arith.addi %add3A_70, %add3A_109 : i32
        %sub3A_111 = arith.constant 4 : i32
        %sub3A_112 = arith.subi %add3A_110, %sub3A_111 : i32
        %rem3A_113 = arith.constant 4 : i32
        %rem3A_114 = arith.remsi %sub3A_112, %rem3A_113 : i32
        %mul3A_115 = arith.constant 128 : i32
        %mul3A_116 = arith.muli %rem3A_114, %mul3A_115 : i32
        %dma_wait3A_117 = arith.constant 0 : i32
        %dma_wait3A_118 = tpu.memref_slice %arg8[%mul3A_116, %dma_wait3A_117] : memref<512x64xf32, #tpu.memory_space<vmem>> -> memref<128x64xf32, #tpu.memory_space<vmem>>
        %dma_wait3A_119 = arith.constant 0 : i32
        %dma_wait3A_120 = tpu.memref_slice %arg7[%sub3A_108, %dma_wait3A_119] : memref<40x128xi32, #tpu.memory_space<vmem>> -> memref<1x128xi32, #tpu.memory_space<vmem>>
        %dma_wait3A_121 = tpu.memref_squeeze %dma_wait3A_120 : memref<1x128xi32, #tpu.memory_space<vmem>> -> memref<128xi32, #tpu.memory_space<vmem>>
        %dma_wait3A_122 = arith.constant 0 : i32
        %dma_wait3A_123 = arith.constant 0 : i32
        %dma_wait3A_124 = tpu.memref_slice %arg10[%dma_wait3A_122, %dma_wait3A_123] : memref<10112x64xf32, #tpu.memory_space<vmem_shared>> -> memref<10112x64xf32, #tpu.memory_space<vmem_shared>>
        %dma_wait3A_125 = tpu.memref_slice %arg12[%rem3A_114] : memref<4x!tpu.dma_semaphore, #tpu.memory_space<semaphore_mem>> -> memref<1x!tpu.dma_semaphore, #tpu.memory_space<semaphore_mem>>
        %dma_wait3A_126 = tpu.memref_squeeze %dma_wait3A_125 : memref<1x!tpu.dma_semaphore, #tpu.memory_space<semaphore_mem>> -> memref<!tpu.dma_semaphore, #tpu.memory_space<semaphore_mem>>
        tpu.wait_indirect_dma semaphore(%dma_wait3A_126 : memref<!tpu.dma_semaphore, #tpu.memory_space<semaphore_mem>>) src(%dma_wait3A_118 : memref<128x64xf32, #tpu.memory_space<vmem>>) dst(%dma_wait3A_124 : memref<10112x64xf32, #tpu.memory_space<vmem_shared>>)
      } else {
      }
      %add3A_100 = arith.constant 3 : i32
      %add3A_101 = arith.addi %add3A_70, %add3A_100 : i32
      %lt3A = arith.constant 40 : i32
      %lt3A_102 = arith.cmpi slt, %add3A_101, %lt3A : i32
      %convert_element_type3A_103 = arith.extui %lt3A_102 : i1 to i32
      %cond3A_104 = arith.constant 0 : i32
      %cond3A_105 = arith.cmpi ne, %convert_element_type3A_103, %cond3A_104 : i32
      scf.if %cond3A_105 {
        %add3A_106 = arith.constant 3 : i32
        %add3A_107 = arith.addi %add3A_70, %add3A_106 : i32
        %add3A_108 = arith.constant 3 : i32
        %add3A_109 = arith.addi %add3A_70, %add3A_108 : i32
        %rem3A_110 = arith.constant 4 : i32
        %rem3A_111 = arith.remsi %add3A_109, %rem3A_110 : i32
        %mul3A_112 = arith.constant 128 : i32
        %mul3A_113 = arith.muli %rem3A_111, %mul3A_112 : i32
        %dma_start3A_114 = arith.constant 0 : i32
        %dma_start3A_115 = tpu.memref_slice %arg8[%mul3A_113, %dma_start3A_114] : memref<512x64xf32, #tpu.memory_space<vmem>> -> memref<128x64xf32, #tpu.memory_space<vmem>>
        %dma_start3A_116 = arith.constant 0 : i32
        %dma_start3A_117 = tpu.memref_slice %arg6[%add3A_107, %dma_start3A_116] : memref<40x128xi32, #tpu.memory_space<vmem>> -> memref<1x128xi32, #tpu.memory_space<vmem>>
        %dma_start3A_118 = tpu.memref_squeeze %dma_start3A_117 : memref<1x128xi32, #tpu.memory_space<vmem>> -> memref<128xi32, #tpu.memory_space<vmem>>
        %dma_start3A_119 = arith.constant 0 : i32
        %dma_start3A_120 = arith.constant 0 : i32
        %dma_start3A_121 = tpu.memref_slice %arg9[%dma_start3A_119, %dma_start3A_120] : memref<10008x64xf32, #tpu.memory_space<vmem_shared>> -> memref<10008x64xf32, #tpu.memory_space<vmem_shared>>
        %dma_start3A_122 = tpu.memref_slice %arg11[%rem3A_111] : memref<4x!tpu.dma_semaphore, #tpu.memory_space<semaphore_mem>> -> memref<1x!tpu.dma_semaphore, #tpu.memory_space<semaphore_mem>>
        %dma_start3A_123 = tpu.memref_squeeze %dma_start3A_122 : memref<1x!tpu.dma_semaphore, #tpu.memory_space<semaphore_mem>> -> memref<!tpu.dma_semaphore, #tpu.memory_space<semaphore_mem>>
        tpu.enqueue_indirect_dma source(%dma_start3A_121 : memref<10008x64xf32, #tpu.memory_space<vmem_shared>>) target(%dma_start3A_115 : memref<128x64xf32, #tpu.memory_space<vmem>>) offsets(%dma_start3A_118 : memref<128xi32, #tpu.memory_space<vmem>>) semaphore(%dma_start3A_123 : memref<!tpu.dma_semaphore, #tpu.memory_space<semaphore_mem>>)
      } else {
      }
    }
    %scan3A_47 = arith.constant 40 : i32
    %dma_wait3A = arith.constant 39 : i32
    %dma_wait3A_48 = arith.constant 3 : i32
    %dma_wait3A_49 = arith.constant 384 : i32
    %dma_wait3A_50 = arith.constant 0 : i32
    %dma_wait3A_51 = tpu.memref_slice %arg8[%dma_wait3A_49, %dma_wait3A_50] : memref<512x64xf32, #tpu.memory_space<vmem>> -> memref<128x64xf32, #tpu.memory_space<vmem>>
    %dma_wait3A_52 = arith.constant 0 : i32
    %dma_wait3A_53 = tpu.memref_slice %arg7[%dma_wait3A, %dma_wait3A_52] : memref<40x128xi32, #tpu.memory_space<vmem>> -> memref<1x128xi32, #tpu.memory_space<vmem>>
    %dma_wait3A_54 = tpu.memref_squeeze %dma_wait3A_53 : memref<1x128xi32, #tpu.memory_space<vmem>> -> memref<128xi32, #tpu.memory_space<vmem>>
    %dma_wait3A_55 = arith.constant 0 : i32
    %dma_wait3A_56 = arith.constant 0 : i32
    %dma_wait3A_57 = tpu.memref_slice %arg10[%dma_wait3A_55, %dma_wait3A_56] : memref<10112x64xf32, #tpu.memory_space<vmem_shared>> -> memref<10112x64xf32, #tpu.memory_space<vmem_shared>>
    %dma_wait3A_58 = tpu.memref_slice %arg12[%dma_wait3A_48] : memref<4x!tpu.dma_semaphore, #tpu.memory_space<semaphore_mem>> -> memref<1x!tpu.dma_semaphore, #tpu.memory_space<semaphore_mem>>
    %dma_wait3A_59 = tpu.memref_squeeze %dma_wait3A_58 : memref<1x!tpu.dma_semaphore, #tpu.memory_space<semaphore_mem>> -> memref<!tpu.dma_semaphore, #tpu.memory_space<semaphore_mem>>
    tpu.wait_indirect_dma semaphore(%dma_wait3A_59 : memref<!tpu.dma_semaphore, #tpu.memory_space<semaphore_mem>>) src(%dma_wait3A_51 : memref<128x64xf32, #tpu.memory_space<vmem>>) dst(%dma_wait3A_57 : memref<10112x64xf32, #tpu.memory_space<vmem_shared>>)
    %barrier3A_60 = arith.constant 0 : index
    tpu.barrier barrier_id(%barrier3A_60)
    %mul3A_61 = arith.constant 632 : i32
    %mul3A_62 = arith.muli %arg1, %mul3A_61 : i32
    %mul3A_63 = arith.constant 632 : i32
    %mul3A_64 = arith.muli %arg1, %mul3A_63 : i32
    %mul3A_65 = arith.constant 64 : i32
    %mul3A_66 = arith.muli %arg0, %mul3A_65 : i32
    "tpu.region"() ({
      %run_scoped3A_67 = tpu.sem_alloc : memref<!tpu.dma_semaphore, #tpu.memory_space<semaphore_mem>>
      %dma_start3A_68 = tpu.memref_slice %arg5[%mul3A_64, %mul3A_66] : memref<10112x128xf32, #tpu.memory_space<hbm>> -> memref<632x64xf32, #tpu.memory_space<hbm>>
      %dma_start3A_69 = arith.constant 0 : i32
      %dma_start3A_70 = tpu.memref_slice %arg10[%mul3A_62, %dma_start3A_69] : memref<10112x64xf32, #tpu.memory_space<vmem_shared>> -> memref<632x64xf32, #tpu.memory_space<vmem_shared>>
      tpu.enqueue_dma source(%dma_start3A_70 : memref<632x64xf32, #tpu.memory_space<vmem_shared>>) target(%dma_start3A_68 : memref<632x64xf32, #tpu.memory_space<hbm>>) target_semaphore(%run_scoped3A_67 : memref<!tpu.dma_semaphore, #tpu.memory_space<semaphore_mem>>)
      %dma_wait3A_71 = tpu.memref_slice %arg5[%mul3A_64, %mul3A_66] : memref<10112x128xf32, #tpu.memory_space<hbm>> -> memref<632x64xf32, #tpu.memory_space<hbm>>
      %dma_wait3A_72 = arith.constant 0 : i32
      %dma_wait3A_73 = tpu.memref_slice %arg10[%mul3A_62, %dma_wait3A_72] : memref<10112x64xf32, #tpu.memory_space<vmem_shared>> -> memref<632x64xf32, #tpu.memory_space<vmem_shared>>
      tpu.wait_dma2 semaphore(%run_scoped3A_67 : memref<!tpu.dma_semaphore, #tpu.memory_space<semaphore_mem>>) src(%dma_wait3A_73 : memref<632x64xf32, #tpu.memory_space<vmem_shared>>) dst(%dma_wait3A_71 : memref<632x64xf32, #tpu.memory_space<hbm>>)
      tpu.yield
    }) : () -> ()
    return
  }
}

#map = affine_map<(d0, d1) -> (0, 0)>
#map1 = affine_map<(d0, d1) -> (0, 0, 0, 0)>
module attributes {stable_mosaic.version = 14 : i64} {
  func.func @agg_kernel(%arg0: i32, %arg1: i32, %arg2: memref<10000x128xf32, #tpu.memory_space<hbm>>, %arg3: memref<2x16x80x128xi32, #tpu.memory_space<hbm>>, %arg4: memref<632x64xf32, #tpu.memory_space<hbm>>, %arg5: memref<10112x128xf32, #tpu.memory_space<hbm>>, %arg6: memref<80x128xi32, #tpu.memory_space<vmem>>, %arg7: memref<80x128xi32, #tpu.memory_space<vmem>>, %arg8: memref<384x64xf32, #tpu.memory_space<vmem>>, %arg9: memref<10008x64xf32, #tpu.memory_space<vmem_shared>>, %arg10: memref<10112x64xf32, #tpu.memory_space<vmem_shared>>, %arg11: memref<3x!tpu.dma_semaphore, #tpu.memory_space<semaphore_mem>>, %arg12: memref<3x!tpu.dma_semaphore, #tpu.memory_space<semaphore_mem>>) attributes {dimension_semantics = [#tpu.dimension_semantics<core_parallel>, #tpu.dimension_semantics<subcore_parallel>], iteration_bounds = array<i64: 2, 16>, scalar_prefetch = 0 : i64, scratch_operands = 7 : i64, tpu.core_type = #tpu.core_type<sc_vector_subcore>, window_params = [{transform_indices = #map}, {transform_indices = #map1}, {transform_indices = #map}, {transform_indices = #map}]} {
    %run_scoped3A = arith.constant 0 : i32
    "tpu.region"() ({
      %run_scoped3A_56 = tpu.sem_alloc : memref<!tpu.dma_semaphore, #tpu.memory_space<semaphore_mem>>
      %dma_start3A_57 = arith.constant 0 : i32
      %dma_start3A_58 = arith.constant 0 : i32
      %dma_start3A_59 = tpu.memref_slice %arg3[%run_scoped3A, %arg1, %dma_start3A_57, %dma_start3A_58] : memref<2x16x80x128xi32, #tpu.memory_space<hbm>> -> memref<1x1x80x128xi32, #tpu.memory_space<hbm>>
      %dma_start3A_60 = tpu.memref_squeeze %dma_start3A_59 : memref<1x1x80x128xi32, #tpu.memory_space<hbm>> -> memref<80x128xi32, #tpu.memory_space<hbm>>
      %dma_start3A_61 = arith.constant 0 : i32
      %dma_start3A_62 = arith.constant 0 : i32
      %dma_start3A_63 = tpu.memref_slice %arg3[%run_scoped3A, %arg1, %dma_start3A_61, %dma_start3A_62] : memref<2x16x80x128xi32, #tpu.memory_space<hbm>> -> memref<1x1x80x128xi32, #tpu.memory_space<hbm>>
      %dma_start3A_64 = tpu.memref_squeeze %dma_start3A_63 : memref<1x1x80x128xi32, #tpu.memory_space<hbm>> -> memref<80x128xi32, #tpu.memory_space<hbm>>
      tpu.enqueue_dma source(%dma_start3A_64 : memref<80x128xi32, #tpu.memory_space<hbm>>) target(%arg6 : memref<80x128xi32, #tpu.memory_space<vmem>>) target_semaphore(%run_scoped3A_56 : memref<!tpu.dma_semaphore, #tpu.memory_space<semaphore_mem>>)
      %dma_wait3A_65 = arith.constant 0 : i32
      %dma_wait3A_66 = arith.constant 0 : i32
      %dma_wait3A_67 = tpu.memref_slice %arg3[%run_scoped3A, %arg1, %dma_wait3A_65, %dma_wait3A_66] : memref<2x16x80x128xi32, #tpu.memory_space<hbm>> -> memref<1x1x80x128xi32, #tpu.memory_space<hbm>>
      %dma_wait3A_68 = tpu.memref_squeeze %dma_wait3A_67 : memref<1x1x80x128xi32, #tpu.memory_space<hbm>> -> memref<80x128xi32, #tpu.memory_space<hbm>>
      %dma_wait3A_69 = arith.constant 0 : i32
      %dma_wait3A_70 = arith.constant 0 : i32
      %dma_wait3A_71 = tpu.memref_slice %arg3[%run_scoped3A, %arg1, %dma_wait3A_69, %dma_wait3A_70] : memref<2x16x80x128xi32, #tpu.memory_space<hbm>> -> memref<1x1x80x128xi32, #tpu.memory_space<hbm>>
      %dma_wait3A_72 = tpu.memref_squeeze %dma_wait3A_71 : memref<1x1x80x128xi32, #tpu.memory_space<hbm>> -> memref<80x128xi32, #tpu.memory_space<hbm>>
      tpu.wait_dma2 semaphore(%run_scoped3A_56 : memref<!tpu.dma_semaphore, #tpu.memory_space<semaphore_mem>>) src(%dma_wait3A_72 : memref<80x128xi32, #tpu.memory_space<hbm>>) dst(%arg6 : memref<80x128xi32, #tpu.memory_space<vmem>>)
      tpu.yield
    }) : () -> ()
    %run_scoped3A_0 = arith.constant 1 : i32
    "tpu.region"() ({
      %run_scoped3A_56 = tpu.sem_alloc : memref<!tpu.dma_semaphore, #tpu.memory_space<semaphore_mem>>
      %dma_start3A_57 = arith.constant 0 : i32
      %dma_start3A_58 = arith.constant 0 : i32
      %dma_start3A_59 = tpu.memref_slice %arg3[%run_scoped3A_0, %arg1, %dma_start3A_57, %dma_start3A_58] : memref<2x16x80x128xi32, #tpu.memory_space<hbm>> -> memref<1x1x80x128xi32, #tpu.memory_space<hbm>>
      %dma_start3A_60 = tpu.memref_squeeze %dma_start3A_59 : memref<1x1x80x128xi32, #tpu.memory_space<hbm>> -> memref<80x128xi32, #tpu.memory_space<hbm>>
      %dma_start3A_61 = arith.constant 0 : i32
      %dma_start3A_62 = arith.constant 0 : i32
      %dma_start3A_63 = tpu.memref_slice %arg3[%run_scoped3A_0, %arg1, %dma_start3A_61, %dma_start3A_62] : memref<2x16x80x128xi32, #tpu.memory_space<hbm>> -> memref<1x1x80x128xi32, #tpu.memory_space<hbm>>
      %dma_start3A_64 = tpu.memref_squeeze %dma_start3A_63 : memref<1x1x80x128xi32, #tpu.memory_space<hbm>> -> memref<80x128xi32, #tpu.memory_space<hbm>>
      tpu.enqueue_dma source(%dma_start3A_64 : memref<80x128xi32, #tpu.memory_space<hbm>>) target(%arg7 : memref<80x128xi32, #tpu.memory_space<vmem>>) target_semaphore(%run_scoped3A_56 : memref<!tpu.dma_semaphore, #tpu.memory_space<semaphore_mem>>)
      %dma_wait3A_65 = arith.constant 0 : i32
      %dma_wait3A_66 = arith.constant 0 : i32
      %dma_wait3A_67 = tpu.memref_slice %arg3[%run_scoped3A_0, %arg1, %dma_wait3A_65, %dma_wait3A_66] : memref<2x16x80x128xi32, #tpu.memory_space<hbm>> -> memref<1x1x80x128xi32, #tpu.memory_space<hbm>>
      %dma_wait3A_68 = tpu.memref_squeeze %dma_wait3A_67 : memref<1x1x80x128xi32, #tpu.memory_space<hbm>> -> memref<80x128xi32, #tpu.memory_space<hbm>>
      %dma_wait3A_69 = arith.constant 0 : i32
      %dma_wait3A_70 = arith.constant 0 : i32
      %dma_wait3A_71 = tpu.memref_slice %arg3[%run_scoped3A_0, %arg1, %dma_wait3A_69, %dma_wait3A_70] : memref<2x16x80x128xi32, #tpu.memory_space<hbm>> -> memref<1x1x80x128xi32, #tpu.memory_space<hbm>>
      %dma_wait3A_72 = tpu.memref_squeeze %dma_wait3A_71 : memref<1x1x80x128xi32, #tpu.memory_space<hbm>> -> memref<80x128xi32, #tpu.memory_space<hbm>>
      tpu.wait_dma2 semaphore(%run_scoped3A_56 : memref<!tpu.dma_semaphore, #tpu.memory_space<semaphore_mem>>) src(%dma_wait3A_72 : memref<80x128xi32, #tpu.memory_space<hbm>>) dst(%arg7 : memref<80x128xi32, #tpu.memory_space<vmem>>)
      tpu.yield
    }) : () -> ()
    %mul3A = arith.constant 625 : i32
    %mul3A_1 = arith.muli %arg1, %mul3A : i32
    %mul3A_2 = arith.constant 64 : i32
    %mul3A_3 = arith.muli %arg0, %mul3A_2 : i32
    %mul3A_4 = arith.constant 625 : i32
    %mul3A_5 = arith.muli %arg1, %mul3A_4 : i32
    "tpu.region"() ({
      %run_scoped3A_56 = tpu.sem_alloc : memref<!tpu.dma_semaphore, #tpu.memory_space<semaphore_mem>>
      %dma_start3A_57 = arith.constant 0 : i32
      %dma_start3A_58 = tpu.memref_slice %arg9[%mul3A_5, %dma_start3A_57] : memref<10008x64xf32, #tpu.memory_space<vmem_shared>> -> memref<625x64xf32, #tpu.memory_space<vmem_shared>>
      %dma_start3A_59 = tpu.memref_slice %arg2[%mul3A_1, %mul3A_3] : memref<10000x128xf32, #tpu.memory_space<hbm>> -> memref<625x64xf32, #tpu.memory_space<hbm>>
      tpu.enqueue_dma source(%dma_start3A_59 : memref<625x64xf32, #tpu.memory_space<hbm>>) target(%dma_start3A_58 : memref<625x64xf32, #tpu.memory_space<vmem_shared>>) target_semaphore(%run_scoped3A_56 : memref<!tpu.dma_semaphore, #tpu.memory_space<semaphore_mem>>)
      %dma_wait3A_60 = arith.constant 0 : i32
      %dma_wait3A_61 = tpu.memref_slice %arg9[%mul3A_5, %dma_wait3A_60] : memref<10008x64xf32, #tpu.memory_space<vmem_shared>> -> memref<625x64xf32, #tpu.memory_space<vmem_shared>>
      %dma_wait3A_62 = tpu.memref_slice %arg2[%mul3A_1, %mul3A_3] : memref<10000x128xf32, #tpu.memory_space<hbm>> -> memref<625x64xf32, #tpu.memory_space<hbm>>
      tpu.wait_dma2 semaphore(%run_scoped3A_56 : memref<!tpu.dma_semaphore, #tpu.memory_space<semaphore_mem>>) src(%dma_wait3A_62 : memref<625x64xf32, #tpu.memory_space<hbm>>) dst(%dma_wait3A_61 : memref<625x64xf32, #tpu.memory_space<vmem_shared>>)
      tpu.yield
    }) : () -> ()
    %mul3A_6 = arith.constant 632 : i32
    %mul3A_7 = arith.muli %arg1, %mul3A_6 : i32
    "tpu.region"() ({
      %run_scoped3A_56 = tpu.sem_alloc : memref<!tpu.dma_semaphore, #tpu.memory_space<semaphore_mem>>
      %dma_start3A_57 = arith.constant 0 : i32
      %dma_start3A_58 = tpu.memref_slice %arg10[%mul3A_7, %dma_start3A_57] : memref<10112x64xf32, #tpu.memory_space<vmem_shared>> -> memref<632x64xf32, #tpu.memory_space<vmem_shared>>
      tpu.enqueue_dma source(%arg4 : memref<632x64xf32, #tpu.memory_space<hbm>>) target(%dma_start3A_58 : memref<632x64xf32, #tpu.memory_space<vmem_shared>>) target_semaphore(%run_scoped3A_56 : memref<!tpu.dma_semaphore, #tpu.memory_space<semaphore_mem>>)
      %dma_wait3A_59 = arith.constant 0 : i32
      %dma_wait3A_60 = tpu.memref_slice %arg10[%mul3A_7, %dma_wait3A_59] : memref<10112x64xf32, #tpu.memory_space<vmem_shared>> -> memref<632x64xf32, #tpu.memory_space<vmem_shared>>
      tpu.wait_dma2 semaphore(%run_scoped3A_56 : memref<!tpu.dma_semaphore, #tpu.memory_space<semaphore_mem>>) src(%arg4 : memref<632x64xf32, #tpu.memory_space<hbm>>) dst(%dma_wait3A_60 : memref<632x64xf32, #tpu.memory_space<vmem_shared>>)
      tpu.yield
    }) : () -> ()
    %barrier3A = arith.constant 0 : index
    tpu.barrier barrier_id(%barrier3A)
    %dma_start3A = arith.constant 0 : i32
    %dma_start3A_8 = arith.constant 0 : i32
    %dma_start3A_9 = arith.constant 0 : i32
    %dma_start3A_10 = arith.constant 0 : i32
    %dma_start3A_11 = tpu.memref_slice %arg8[%dma_start3A_9, %dma_start3A_10] : memref<384x64xf32, #tpu.memory_space<vmem>> -> memref<128x64xf32, #tpu.memory_space<vmem>>
    %dma_start3A_12 = arith.constant 0 : i32
    %dma_start3A_13 = tpu.memref_slice %arg6[%dma_start3A, %dma_start3A_12] : memref<80x128xi32, #tpu.memory_space<vmem>> -> memref<1x128xi32, #tpu.memory_space<vmem>>
    %dma_start3A_14 = tpu.memref_squeeze %dma_start3A_13 : memref<1x128xi32, #tpu.memory_space<vmem>> -> memref<128xi32, #tpu.memory_space<vmem>>
    %dma_start3A_15 = arith.constant 0 : i32
    %dma_start3A_16 = arith.constant 0 : i32
    %dma_start3A_17 = tpu.memref_slice %arg9[%dma_start3A_15, %dma_start3A_16] : memref<10008x64xf32, #tpu.memory_space<vmem_shared>> -> memref<10008x64xf32, #tpu.memory_space<vmem_shared>>
    %dma_start3A_18 = tpu.memref_slice %arg11[%dma_start3A_8] : memref<3x!tpu.dma_semaphore, #tpu.memory_space<semaphore_mem>> -> memref<1x!tpu.dma_semaphore, #tpu.memory_space<semaphore_mem>>
    %dma_start3A_19 = tpu.memref_squeeze %dma_start3A_18 : memref<1x!tpu.dma_semaphore, #tpu.memory_space<semaphore_mem>> -> memref<!tpu.dma_semaphore, #tpu.memory_space<semaphore_mem>>
    tpu.enqueue_indirect_dma source(%dma_start3A_17 : memref<10008x64xf32, #tpu.memory_space<vmem_shared>>) target(%dma_start3A_11 : memref<128x64xf32, #tpu.memory_space<vmem>>) offsets(%dma_start3A_14 : memref<128xi32, #tpu.memory_space<vmem>>) semaphore(%dma_start3A_19 : memref<!tpu.dma_semaphore, #tpu.memory_space<semaphore_mem>>)
    %dma_start3A_20 = arith.constant 1 : i32
    %dma_start3A_21 = arith.constant 1 : i32
    %dma_start3A_22 = arith.constant 128 : i32
    %dma_start3A_23 = arith.constant 0 : i32
    %dma_start3A_24 = tpu.memref_slice %arg8[%dma_start3A_22, %dma_start3A_23] : memref<384x64xf32, #tpu.memory_space<vmem>> -> memref<128x64xf32, #tpu.memory_space<vmem>>
    %dma_start3A_25 = arith.constant 0 : i32
    %dma_start3A_26 = tpu.memref_slice %arg6[%dma_start3A_20, %dma_start3A_25] : memref<80x128xi32, #tpu.memory_space<vmem>> -> memref<1x128xi32, #tpu.memory_space<vmem>>
    %dma_start3A_27 = tpu.memref_squeeze %dma_start3A_26 : memref<1x128xi32, #tpu.memory_space<vmem>> -> memref<128xi32, #tpu.memory_space<vmem>>
    %dma_start3A_28 = arith.constant 0 : i32
    %dma_start3A_29 = arith.constant 0 : i32
    %dma_start3A_30 = tpu.memref_slice %arg9[%dma_start3A_28, %dma_start3A_29] : memref<10008x64xf32, #tpu.memory_space<vmem_shared>> -> memref<10008x64xf32, #tpu.memory_space<vmem_shared>>
    %dma_start3A_31 = tpu.memref_slice %arg11[%dma_start3A_21] : memref<3x!tpu.dma_semaphore, #tpu.memory_space<semaphore_mem>> -> memref<1x!tpu.dma_semaphore, #tpu.memory_space<semaphore_mem>>
    %dma_start3A_32 = tpu.memref_squeeze %dma_start3A_31 : memref<1x!tpu.dma_semaphore, #tpu.memory_space<semaphore_mem>> -> memref<!tpu.dma_semaphore, #tpu.memory_space<semaphore_mem>>
    tpu.enqueue_indirect_dma source(%dma_start3A_30 : memref<10008x64xf32, #tpu.memory_space<vmem_shared>>) target(%dma_start3A_24 : memref<128x64xf32, #tpu.memory_space<vmem>>) offsets(%dma_start3A_27 : memref<128xi32, #tpu.memory_space<vmem>>) semaphore(%dma_start3A_32 : memref<!tpu.dma_semaphore, #tpu.memory_space<semaphore_mem>>)
    %scan3A = arith.constant 0 : i32
    %scan3A_33 = arith.constant 80 : i32
    %scan3A_34 = arith.addi %scan3A, %scan3A_33 : i32
    %scan3A_35 = arith.constant 1 : i32
    scf.for %scan3A_56 = %scan3A to %scan3A_34 step %scan3A_35  : i32 {
      %mul3A_57 = arith.constant 1 : i32
      %mul3A_58 = arith.muli %scan3A_56, %mul3A_57 : i32
      %add3A = arith.constant 0 : i32
      %add3A_59 = arith.addi %add3A, %mul3A_58 : i32
      %rem3A = arith.constant 3 : i32
      %rem3A_60 = arith.remsi %add3A_59, %rem3A : i32
      %mul3A_61 = arith.constant 128 : i32
      %mul3A_62 = arith.muli %rem3A_60, %mul3A_61 : i32
      %dma_wait3A_63 = arith.constant 0 : i32
      %dma_wait3A_64 = tpu.memref_slice %arg8[%mul3A_62, %dma_wait3A_63] : memref<384x64xf32, #tpu.memory_space<vmem>> -> memref<128x64xf32, #tpu.memory_space<vmem>>
      %dma_wait3A_65 = arith.constant 0 : i32
      %dma_wait3A_66 = tpu.memref_slice %arg6[%add3A_59, %dma_wait3A_65] : memref<80x128xi32, #tpu.memory_space<vmem>> -> memref<1x128xi32, #tpu.memory_space<vmem>>
      %dma_wait3A_67 = tpu.memref_squeeze %dma_wait3A_66 : memref<1x128xi32, #tpu.memory_space<vmem>> -> memref<128xi32, #tpu.memory_space<vmem>>
      %dma_wait3A_68 = arith.constant 0 : i32
      %dma_wait3A_69 = arith.constant 0 : i32
      %dma_wait3A_70 = tpu.memref_slice %arg9[%dma_wait3A_68, %dma_wait3A_69] : memref<10008x64xf32, #tpu.memory_space<vmem_shared>> -> memref<10008x64xf32, #tpu.memory_space<vmem_shared>>
      %dma_wait3A_71 = tpu.memref_slice %arg11[%rem3A_60] : memref<3x!tpu.dma_semaphore, #tpu.memory_space<semaphore_mem>> -> memref<1x!tpu.dma_semaphore, #tpu.memory_space<semaphore_mem>>
      %dma_wait3A_72 = tpu.memref_squeeze %dma_wait3A_71 : memref<1x!tpu.dma_semaphore, #tpu.memory_space<semaphore_mem>> -> memref<!tpu.dma_semaphore, #tpu.memory_space<semaphore_mem>>
      tpu.wait_indirect_dma semaphore(%dma_wait3A_72 : memref<!tpu.dma_semaphore, #tpu.memory_space<semaphore_mem>>) src(%dma_wait3A_70 : memref<10008x64xf32, #tpu.memory_space<vmem_shared>>) dst(%dma_wait3A_64 : memref<128x64xf32, #tpu.memory_space<vmem>>)
      %mul3A_73 = arith.constant 128 : i32
      %mul3A_74 = arith.muli %rem3A_60, %mul3A_73 : i32
      %dma_start3A_75 = arith.constant 0 : i32
      %dma_start3A_76 = tpu.memref_slice %arg8[%mul3A_74, %dma_start3A_75] : memref<384x64xf32, #tpu.memory_space<vmem>> -> memref<128x64xf32, #tpu.memory_space<vmem>>
      %dma_start3A_77 = arith.constant 0 : i32
      %dma_start3A_78 = tpu.memref_slice %arg7[%add3A_59, %dma_start3A_77] : memref<80x128xi32, #tpu.memory_space<vmem>> -> memref<1x128xi32, #tpu.memory_space<vmem>>
      %dma_start3A_79 = tpu.memref_squeeze %dma_start3A_78 : memref<1x128xi32, #tpu.memory_space<vmem>> -> memref<128xi32, #tpu.memory_space<vmem>>
      %dma_start3A_80 = arith.constant 0 : i32
      %dma_start3A_81 = arith.constant 0 : i32
      %dma_start3A_82 = tpu.memref_slice %arg10[%dma_start3A_80, %dma_start3A_81] : memref<10112x64xf32, #tpu.memory_space<vmem_shared>> -> memref<10112x64xf32, #tpu.memory_space<vmem_shared>>
      %dma_start3A_83 = tpu.memref_slice %arg12[%rem3A_60] : memref<3x!tpu.dma_semaphore, #tpu.memory_space<semaphore_mem>> -> memref<1x!tpu.dma_semaphore, #tpu.memory_space<semaphore_mem>>
      %dma_start3A_84 = tpu.memref_squeeze %dma_start3A_83 : memref<1x!tpu.dma_semaphore, #tpu.memory_space<semaphore_mem>> -> memref<!tpu.dma_semaphore, #tpu.memory_space<semaphore_mem>>
      tpu.enqueue_indirect_dma source(%dma_start3A_76 : memref<128x64xf32, #tpu.memory_space<vmem>>) target(%dma_start3A_82 : memref<10112x64xf32, #tpu.memory_space<vmem_shared>>) offsets(%dma_start3A_79 : memref<128xi32, #tpu.memory_space<vmem>>) semaphore(%dma_start3A_84 : memref<!tpu.dma_semaphore, #tpu.memory_space<semaphore_mem>>) {add = true}
      %add3A_85 = arith.constant 2 : i32
      %add3A_86 = arith.addi %add3A_59, %add3A_85 : i32
      %ge3A = arith.constant 3 : i32
      %ge3A_87 = arith.cmpi sge, %add3A_86, %ge3A : i32
      %convert_element_type3A = arith.extui %ge3A_87 : i1 to i32
      %cond3A = arith.constant 0 : i32
      %cond3A_88 = arith.cmpi ne, %convert_element_type3A, %cond3A : i32
      scf.if %cond3A_88 {
        %add3A_95 = arith.constant 2 : i32
        %add3A_96 = arith.addi %add3A_59, %add3A_95 : i32
        %sub3A = arith.constant 3 : i32
        %sub3A_97 = arith.subi %add3A_96, %sub3A : i32
        %add3A_98 = arith.constant 2 : i32
        %add3A_99 = arith.addi %add3A_59, %add3A_98 : i32
        %sub3A_100 = arith.constant 3 : i32
        %sub3A_101 = arith.subi %add3A_99, %sub3A_100 : i32
        %rem3A_102 = arith.constant 3 : i32
        %rem3A_103 = arith.remsi %sub3A_101, %rem3A_102 : i32
        %mul3A_104 = arith.constant 128 : i32
        %mul3A_105 = arith.muli %rem3A_103, %mul3A_104 : i32
        %dma_wait3A_106 = arith.constant 0 : i32
        %dma_wait3A_107 = tpu.memref_slice %arg8[%mul3A_105, %dma_wait3A_106] : memref<384x64xf32, #tpu.memory_space<vmem>> -> memref<128x64xf32, #tpu.memory_space<vmem>>
        %dma_wait3A_108 = arith.constant 0 : i32
        %dma_wait3A_109 = tpu.memref_slice %arg7[%sub3A_97, %dma_wait3A_108] : memref<80x128xi32, #tpu.memory_space<vmem>> -> memref<1x128xi32, #tpu.memory_space<vmem>>
        %dma_wait3A_110 = tpu.memref_squeeze %dma_wait3A_109 : memref<1x128xi32, #tpu.memory_space<vmem>> -> memref<128xi32, #tpu.memory_space<vmem>>
        %dma_wait3A_111 = arith.constant 0 : i32
        %dma_wait3A_112 = arith.constant 0 : i32
        %dma_wait3A_113 = tpu.memref_slice %arg10[%dma_wait3A_111, %dma_wait3A_112] : memref<10112x64xf32, #tpu.memory_space<vmem_shared>> -> memref<10112x64xf32, #tpu.memory_space<vmem_shared>>
        %dma_wait3A_114 = tpu.memref_slice %arg12[%rem3A_103] : memref<3x!tpu.dma_semaphore, #tpu.memory_space<semaphore_mem>> -> memref<1x!tpu.dma_semaphore, #tpu.memory_space<semaphore_mem>>
        %dma_wait3A_115 = tpu.memref_squeeze %dma_wait3A_114 : memref<1x!tpu.dma_semaphore, #tpu.memory_space<semaphore_mem>> -> memref<!tpu.dma_semaphore, #tpu.memory_space<semaphore_mem>>
        tpu.wait_indirect_dma semaphore(%dma_wait3A_115 : memref<!tpu.dma_semaphore, #tpu.memory_space<semaphore_mem>>) src(%dma_wait3A_107 : memref<128x64xf32, #tpu.memory_space<vmem>>) dst(%dma_wait3A_113 : memref<10112x64xf32, #tpu.memory_space<vmem_shared>>)
      } else {
      }
      %add3A_89 = arith.constant 2 : i32
      %add3A_90 = arith.addi %add3A_59, %add3A_89 : i32
      %lt3A = arith.constant 80 : i32
      %lt3A_91 = arith.cmpi slt, %add3A_90, %lt3A : i32
      %convert_element_type3A_92 = arith.extui %lt3A_91 : i1 to i32
      %cond3A_93 = arith.constant 0 : i32
      %cond3A_94 = arith.cmpi ne, %convert_element_type3A_92, %cond3A_93 : i32
      scf.if %cond3A_94 {
        %add3A_95 = arith.constant 2 : i32
        %add3A_96 = arith.addi %add3A_59, %add3A_95 : i32
        %add3A_97 = arith.constant 2 : i32
        %add3A_98 = arith.addi %add3A_59, %add3A_97 : i32
        %rem3A_99 = arith.constant 3 : i32
        %rem3A_100 = arith.remsi %add3A_98, %rem3A_99 : i32
        %mul3A_101 = arith.constant 128 : i32
        %mul3A_102 = arith.muli %rem3A_100, %mul3A_101 : i32
        %dma_start3A_103 = arith.constant 0 : i32
        %dma_start3A_104 = tpu.memref_slice %arg8[%mul3A_102, %dma_start3A_103] : memref<384x64xf32, #tpu.memory_space<vmem>> -> memref<128x64xf32, #tpu.memory_space<vmem>>
        %dma_start3A_105 = arith.constant 0 : i32
        %dma_start3A_106 = tpu.memref_slice %arg6[%add3A_96, %dma_start3A_105] : memref<80x128xi32, #tpu.memory_space<vmem>> -> memref<1x128xi32, #tpu.memory_space<vmem>>
        %dma_start3A_107 = tpu.memref_squeeze %dma_start3A_106 : memref<1x128xi32, #tpu.memory_space<vmem>> -> memref<128xi32, #tpu.memory_space<vmem>>
        %dma_start3A_108 = arith.constant 0 : i32
        %dma_start3A_109 = arith.constant 0 : i32
        %dma_start3A_110 = tpu.memref_slice %arg9[%dma_start3A_108, %dma_start3A_109] : memref<10008x64xf32, #tpu.memory_space<vmem_shared>> -> memref<10008x64xf32, #tpu.memory_space<vmem_shared>>
        %dma_start3A_111 = tpu.memref_slice %arg11[%rem3A_100] : memref<3x!tpu.dma_semaphore, #tpu.memory_space<semaphore_mem>> -> memref<1x!tpu.dma_semaphore, #tpu.memory_space<semaphore_mem>>
        %dma_start3A_112 = tpu.memref_squeeze %dma_start3A_111 : memref<1x!tpu.dma_semaphore, #tpu.memory_space<semaphore_mem>> -> memref<!tpu.dma_semaphore, #tpu.memory_space<semaphore_mem>>
        tpu.enqueue_indirect_dma source(%dma_start3A_110 : memref<10008x64xf32, #tpu.memory_space<vmem_shared>>) target(%dma_start3A_104 : memref<128x64xf32, #tpu.memory_space<vmem>>) offsets(%dma_start3A_107 : memref<128xi32, #tpu.memory_space<vmem>>) semaphore(%dma_start3A_112 : memref<!tpu.dma_semaphore, #tpu.memory_space<semaphore_mem>>)
      } else {
      }
    }
    %scan3A_36 = arith.constant 80 : i32
    %dma_wait3A = arith.constant 79 : i32
    %dma_wait3A_37 = arith.constant 1 : i32
    %dma_wait3A_38 = arith.constant 128 : i32
    %dma_wait3A_39 = arith.constant 0 : i32
    %dma_wait3A_40 = tpu.memref_slice %arg8[%dma_wait3A_38, %dma_wait3A_39] : memref<384x64xf32, #tpu.memory_space<vmem>> -> memref<128x64xf32, #tpu.memory_space<vmem>>
    %dma_wait3A_41 = arith.constant 0 : i32
    %dma_wait3A_42 = tpu.memref_slice %arg7[%dma_wait3A, %dma_wait3A_41] : memref<80x128xi32, #tpu.memory_space<vmem>> -> memref<1x128xi32, #tpu.memory_space<vmem>>
    %dma_wait3A_43 = tpu.memref_squeeze %dma_wait3A_42 : memref<1x128xi32, #tpu.memory_space<vmem>> -> memref<128xi32, #tpu.memory_space<vmem>>
    %dma_wait3A_44 = arith.constant 0 : i32
    %dma_wait3A_45 = arith.constant 0 : i32
    %dma_wait3A_46 = tpu.memref_slice %arg10[%dma_wait3A_44, %dma_wait3A_45] : memref<10112x64xf32, #tpu.memory_space<vmem_shared>> -> memref<10112x64xf32, #tpu.memory_space<vmem_shared>>
    %dma_wait3A_47 = tpu.memref_slice %arg12[%dma_wait3A_37] : memref<3x!tpu.dma_semaphore, #tpu.memory_space<semaphore_mem>> -> memref<1x!tpu.dma_semaphore, #tpu.memory_space<semaphore_mem>>
    %dma_wait3A_48 = tpu.memref_squeeze %dma_wait3A_47 : memref<1x!tpu.dma_semaphore, #tpu.memory_space<semaphore_mem>> -> memref<!tpu.dma_semaphore, #tpu.memory_space<semaphore_mem>>
    tpu.wait_indirect_dma semaphore(%dma_wait3A_48 : memref<!tpu.dma_semaphore, #tpu.memory_space<semaphore_mem>>) src(%dma_wait3A_40 : memref<128x64xf32, #tpu.memory_space<vmem>>) dst(%dma_wait3A_46 : memref<10112x64xf32, #tpu.memory_space<vmem_shared>>)
    %barrier3A_49 = arith.constant 0 : index
    tpu.barrier barrier_id(%barrier3A_49)
    %mul3A_50 = arith.constant 632 : i32
    %mul3A_51 = arith.muli %arg1, %mul3A_50 : i32
    %mul3A_52 = arith.constant 632 : i32
    %mul3A_53 = arith.muli %arg1, %mul3A_52 : i32
    %mul3A_54 = arith.constant 64 : i32
    %mul3A_55 = arith.muli %arg0, %mul3A_54 : i32
    "tpu.region"() ({
      %run_scoped3A_56 = tpu.sem_alloc : memref<!tpu.dma_semaphore, #tpu.memory_space<semaphore_mem>>
      %dma_start3A_57 = tpu.memref_slice %arg5[%mul3A_53, %mul3A_55] : memref<10112x128xf32, #tpu.memory_space<hbm>> -> memref<632x64xf32, #tpu.memory_space<hbm>>
      %dma_start3A_58 = arith.constant 0 : i32
      %dma_start3A_59 = tpu.memref_slice %arg10[%mul3A_51, %dma_start3A_58] : memref<10112x64xf32, #tpu.memory_space<vmem_shared>> -> memref<632x64xf32, #tpu.memory_space<vmem_shared>>
      tpu.enqueue_dma source(%dma_start3A_59 : memref<632x64xf32, #tpu.memory_space<vmem_shared>>) target(%dma_start3A_57 : memref<632x64xf32, #tpu.memory_space<hbm>>) target_semaphore(%run_scoped3A_56 : memref<!tpu.dma_semaphore, #tpu.memory_space<semaphore_mem>>)
      %dma_wait3A_60 = tpu.memref_slice %arg5[%mul3A_53, %mul3A_55] : memref<10112x128xf32, #tpu.memory_space<hbm>> -> memref<632x64xf32, #tpu.memory_space<hbm>>
      %dma_wait3A_61 = arith.constant 0 : i32
      %dma_wait3A_62 = tpu.memref_slice %arg10[%mul3A_51, %dma_wait3A_61] : memref<10112x64xf32, #tpu.memory_space<vmem_shared>> -> memref<632x64xf32, #tpu.memory_space<vmem_shared>>
      tpu.wait_dma2 semaphore(%run_scoped3A_56 : memref<!tpu.dma_semaphore, #tpu.memory_space<semaphore_mem>>) src(%dma_wait3A_62 : memref<632x64xf32, #tpu.memory_space<vmem_shared>>) dst(%dma_wait3A_60 : memref<632x64xf32, #tpu.memory_space<hbm>>)
      tpu.yield
    }) : () -> ()
    return
  }
}

module attributes {stable_mosaic.version = 14 : i64} {
  func.func @_tc1_body(%arg0: i32, %arg1: memref<2000x256xf32, #tpu.memory_space<vmem>>, %arg2: memref<256x128xf32, #tpu.memory_space<vmem>>, %arg3: memref<2000x128xf32, #tpu.memory_space<vmem>>, %arg4: memref<2000x128xf32, #tpu.memory_space<vmem>>) attributes {dimension_semantics = [#tpu.dimension_semantics<arbitrary>], iteration_bounds = array<i64: 5>, scalar_prefetch = 0 : i64, scratch_operands = 0 : i64, tpu.core_type = #tpu.core_type<tc>, window_params = [{transform_indices = @transform_0, window_bounds = array<i64: 2000, 256>}, {pipeline_mode = #tpu.pipeline_mode<synchronous>, transform_indices = @transform_1, window_bounds = array<i64: 256, 128>}, {transform_indices = @transform_2, window_bounds = array<i64: 2000, 128>}, {transform_indices = @transform_3, window_bounds = array<i64: 2000, 128>}]} {
    %get3A = arith.constant 0 : index
    %get3A_0 = arith.constant 0 : index
    %get3A_1 = vector.load %arg3[%get3A, %get3A_0] : memref<2000x128xf32, #tpu.memory_space<vmem>>, vector<2000x1xf32>
    %get3A_2 = arith.constant 0 : index
    %get3A_3 = arith.constant 16 : index
    %get3A_4 = vector.load %arg3[%get3A_2, %get3A_3] : memref<2000x128xf32, #tpu.memory_space<vmem>>, vector<2000x1xf32>
    %add3A = arith.addf %get3A_1, %get3A_4 : vector<2000x1xf32>
    %add3A_5 = arith.constant 2.000000e+00 : f32
    %add3A_6 = vector.broadcast %add3A_5 : f32 to vector<2000x1xf32>
    %add3A_7 = arith.addf %add3A, %add3A_6 : vector<2000x1xf32>
    %rsqrt3A = math.rsqrt %add3A_7 : vector<2000x1xf32>
    %get3A_8 = arith.constant 0 : index
    %get3A_9 = arith.constant 0 : index
    %get3A_10 = vector.load %arg1[%get3A_8, %get3A_9] : memref<2000x256xf32, #tpu.memory_space<vmem>>, vector<2000x256xf32>
    %get3A_11 = arith.constant 0 : index
    %get3A_12 = arith.constant 0 : index
    %get3A_13 = vector.load %arg2[%get3A_11, %get3A_12] : memref<256x128xf32, #tpu.memory_space<vmem>>, vector<256x128xf32>
    %dot_general3A = arith.constant dense<0.000000e+00> : vector<2000x128xf32>
    %dot_general3A_14 = tpu.matmul %get3A_10, %get3A_13, %dot_general3A {dimension_numbers = #tpu.dot_dimension_numbers<[1], [0], [0], [1], [0, 0, 1, 1], [], []>, transpose_lhs_hint = false} : vector<2000x256xf32>, vector<256x128xf32>, vector<2000x128xf32> -> vector<2000x128xf32>
    %mul3A = vector.broadcast %rsqrt3A : vector<2000x1xf32> to vector<2000x128xf32>
    %mul3A_15 = arith.mulf %dot_general3A_14, %mul3A : vector<2000x128xf32>
    %swap3A = arith.constant 0 : index
    %swap3A_16 = arith.constant 0 : index
    %swap3A_17 = vector.load %arg4[%swap3A, %swap3A_16] : memref<2000x128xf32, #tpu.memory_space<vmem>>, vector<2000x128xf32>
    tpu.vector_store %arg4[%swap3A, %swap3A_16], %mul3A_15 {strides = array<i32>} : memref<2000x128xf32, #tpu.memory_space<vmem>>, vector<2000x128xf32>,
    return
  }
  func.func @transform_0(%arg0: i32) -> (i32, i32) {
    %c0_i32 = arith.constant 0 : i32
    %c0_i32_0 = arith.constant 0 : i32
    return %arg0, %c0_i32 : i32, i32
  }
  func.func @transform_1(%arg0: i32) -> (i32, i32) {
    %c0_i32 = arith.constant 0 : i32
    %c0_i32_0 = arith.constant 0 : i32
    %c0_i32_1 = arith.constant 0 : i32
    return %c0_i32, %c0_i32_0 : i32, i32
  }
  func.func @transform_2(%arg0: i32) -> (i32, i32) {
    %c0_i32 = arith.constant 0 : i32
    %c0_i32_0 = arith.constant 0 : i32
    return %arg0, %c0_i32 : i32, i32
  }
  func.func @transform_3(%arg0: i32) -> (i32, i32) {
    %c0_i32 = arith.constant 0 : i32
    %c0_i32_0 = arith.constant 0 : i32
    return %arg0, %c0_i32 : i32, i32
  }
}

module attributes {stable_mosaic.version = 14 : i64} {
  func.func @_tc2_body(%arg0: i32, %arg1: memref<2000x128xf32, #tpu.memory_space<vmem>>, %arg2: memref<2000x128xf32, #tpu.memory_space<vmem>>, %arg3: memref<2000x128xf32, #tpu.memory_space<vmem>>, %arg4: memref<1x128xf32, #tpu.memory_space<vmem>>, %arg5: memref<1x128xf32, #tpu.memory_space<vmem>>, %arg6: memref<1x128xf32, #tpu.memory_space<vmem>>, %arg7: memref<128x128xf32, #tpu.memory_space<vmem>>, %arg8: memref<2000x128xf32, #tpu.memory_space<vmem>>) attributes {dimension_semantics = [#tpu.dimension_semantics<arbitrary>], iteration_bounds = array<i64: 5>, scalar_prefetch = 0 : i64, scratch_operands = 0 : i64, tpu.core_type = #tpu.core_type<tc>, window_params = [{transform_indices = @transform_0, window_bounds = array<i64: 2000, 128>}, {transform_indices = @transform_1, window_bounds = array<i64: 2000, 128>}, {transform_indices = @transform_2, window_bounds = array<i64: 2000, 128>}, {pipeline_mode = #tpu.pipeline_mode<synchronous>, transform_indices = @transform_3, window_bounds = array<i64: 1, 128>}, {pipeline_mode = #tpu.pipeline_mode<synchronous>, transform_indices = @transform_4, window_bounds = array<i64: 1, 128>}, {pipeline_mode = #tpu.pipeline_mode<synchronous>, transform_indices = @transform_5, window_bounds = array<i64: 1, 128>}, {pipeline_mode = #tpu.pipeline_mode<synchronous>, transform_indices = @transform_6, window_bounds = array<i64: 128, 128>}, {transform_indices = @transform_7, window_bounds = array<i64: 2000, 128>}]} {
    %get3A = arith.constant 0 : index
    %get3A_0 = arith.constant 0 : index
    %get3A_1 = vector.load %arg3[%get3A, %get3A_0] : memref<2000x128xf32, #tpu.memory_space<vmem>>, vector<2000x1xf32>
    %get3A_2 = arith.constant 0 : index
    %get3A_3 = arith.constant 16 : index
    %get3A_4 = vector.load %arg3[%get3A_2, %get3A_3] : memref<2000x128xf32, #tpu.memory_space<vmem>>, vector<2000x1xf32>
    %add3A = arith.addf %get3A_1, %get3A_4 : vector<2000x1xf32>
    %add3A_5 = arith.constant 2.000000e+00 : f32
    %add3A_6 = vector.broadcast %add3A_5 : f32 to vector<2000x1xf32>
    %add3A_7 = arith.addf %add3A, %add3A_6 : vector<2000x1xf32>
    %rsqrt3A = math.rsqrt %add3A_7 : vector<2000x1xf32>
    %get3A_8 = arith.constant 0 : index
    %get3A_9 = arith.constant 0 : index
    %get3A_10 = vector.load %arg1[%get3A_8, %get3A_9] : memref<2000x128xf32, #tpu.memory_space<vmem>>, vector<2000x128xf32>
    %mul3A = vector.broadcast %rsqrt3A : vector<2000x1xf32> to vector<2000x128xf32>
    %mul3A_11 = arith.mulf %mul3A, %get3A_10 : vector<2000x128xf32>
    %mul3A_12 = arith.constant 2.000000e+00 : f32
    %mul3A_13 = vector.broadcast %mul3A_12 : f32 to vector<2000x1xf32>
    %mul3A_14 = arith.mulf %mul3A_13, %rsqrt3A : vector<2000x1xf32>
    %get3A_15 = arith.constant 0 : index
    %get3A_16 = arith.constant 0 : index
    %get3A_17 = vector.load %arg2[%get3A_15, %get3A_16] : memref<2000x128xf32, #tpu.memory_space<vmem>>, vector<2000x128xf32>
    %mul3A_18 = vector.broadcast %mul3A_14 : vector<2000x1xf32> to vector<2000x128xf32>
    %mul3A_19 = arith.mulf %mul3A_18, %get3A_17 : vector<2000x128xf32>
    %add3A_20 = arith.addf %mul3A_11, %mul3A_19 : vector<2000x128xf32>
    %get3A_21 = arith.constant 0 : index
    %get3A_22 = arith.constant 0 : index
    %get3A_23 = vector.load %arg4[%get3A_21, %get3A_22] : memref<1x128xf32, #tpu.memory_space<vmem>>, vector<1x128xf32>
    %add3A_24 = vector.broadcast %get3A_23 : vector<1x128xf32> to vector<2000x128xf32>
    %add3A_25 = arith.addf %add3A_20, %add3A_24 : vector<2000x128xf32>
    %reduce_sum3A = arith.constant dense<0.000000e+00> : vector<2000xf32>
    %reduce_sum3A_26 = vector.multi_reduction <add>, %add3A_25, %reduce_sum3A [1] : vector<2000x128xf32> to vector<2000xf32>
    %broadcast_in_dim3A = vector.shape_cast %reduce_sum3A_26 : vector<2000xf32> to vector<2000x1xf32>
    %div3A = arith.constant 1.280000e+02 : f32
    %div3A_27 = vector.broadcast %div3A : f32 to vector<2000x1xf32>
    %div3A_28 = arith.divf %broadcast_in_dim3A, %div3A_27 : vector<2000x1xf32>
    %sub3A = vector.broadcast %div3A_28 : vector<2000x1xf32> to vector<2000x128xf32>
    %sub3A_29 = arith.subf %add3A_25, %sub3A : vector<2000x128xf32>
    %mul3A_30 = arith.mulf %sub3A_29, %sub3A_29 : vector<2000x128xf32>
    %reduce_sum3A_31 = arith.constant dense<0.000000e+00> : vector<2000xf32>
    %reduce_sum3A_32 = vector.multi_reduction <add>, %mul3A_30, %reduce_sum3A_31 [1] : vector<2000x128xf32> to vector<2000xf32>
    %broadcast_in_dim3A_33 = vector.shape_cast %reduce_sum3A_32 : vector<2000xf32> to vector<2000x1xf32>
    %div3A_34 = arith.constant 1.280000e+02 : f32
    %div3A_35 = vector.broadcast %div3A_34 : f32 to vector<2000x1xf32>
    %div3A_36 = arith.divf %broadcast_in_dim3A_33, %div3A_35 : vector<2000x1xf32>
    %add3A_37 = arith.constant 9.99999974E-6 : f32
    %add3A_38 = vector.broadcast %add3A_37 : f32 to vector<2000x1xf32>
    %add3A_39 = arith.addf %div3A_36, %add3A_38 : vector<2000x1xf32>
    %rsqrt3A_40 = math.rsqrt %add3A_39 : vector<2000x1xf32>
    %mul3A_41 = vector.broadcast %rsqrt3A_40 : vector<2000x1xf32> to vector<2000x128xf32>
    %mul3A_42 = arith.mulf %sub3A_29, %mul3A_41 : vector<2000x128xf32>
    %get3A_43 = arith.constant 0 : index
    %get3A_44 = arith.constant 0 : index
    %get3A_45 = vector.load %arg5[%get3A_43, %get3A_44] : memref<1x128xf32, #tpu.memory_space<vmem>>, vector<1x128xf32>
    %mul3A_46 = vector.broadcast %get3A_45 : vector<1x128xf32> to vector<2000x128xf32>
    %mul3A_47 = arith.mulf %mul3A_42, %mul3A_46 : vector<2000x128xf32>
    %get3A_48 = arith.constant 0 : index
    %get3A_49 = arith.constant 0 : index
    %get3A_50 = vector.load %arg6[%get3A_48, %get3A_49] : memref<1x128xf32, #tpu.memory_space<vmem>>, vector<1x128xf32>
    %add3A_51 = vector.broadcast %get3A_50 : vector<1x128xf32> to vector<2000x128xf32>
    %add3A_52 = arith.addf %mul3A_47, %add3A_51 : vector<2000x128xf32>
    %max3A = arith.constant 0.000000e+00 : f32
    %max3A_53 = vector.broadcast %max3A : f32 to vector<2000x128xf32>
    %max3A_54 = arith.maximumf %add3A_52, %max3A_53 : vector<2000x128xf32>
    %get3A_55 = arith.constant 0 : index
    %get3A_56 = arith.constant 0 : index
    %get3A_57 = vector.load %arg7[%get3A_55, %get3A_56] : memref<128x128xf32, #tpu.memory_space<vmem>>, vector<128x128xf32>
    %dot_general3A = arith.constant dense<0.000000e+00> : vector<2000x128xf32>
    %dot_general3A_58 = tpu.matmul %max3A_54, %get3A_57, %dot_general3A {dimension_numbers = #tpu.dot_dimension_numbers<[1], [0], [0], [1], [0, 0, 1, 1], [], []>, transpose_lhs_hint = false} : vector<2000x128xf32>, vector<128x128xf32>, vector<2000x128xf32> -> vector<2000x128xf32>
    %mul3A_59 = vector.broadcast %rsqrt3A : vector<2000x1xf32> to vector<2000x128xf32>
    %mul3A_60 = arith.mulf %dot_general3A_58, %mul3A_59 : vector<2000x128xf32>
    %swap3A = arith.constant 0 : index
    %swap3A_61 = arith.constant 0 : index
    %swap3A_62 = vector.load %arg8[%swap3A, %swap3A_61] : memref<2000x128xf32, #tpu.memory_space<vmem>>, vector<2000x128xf32>
    tpu.vector_store %arg8[%swap3A, %swap3A_61], %mul3A_60 {strides = array<i32>} : memref<2000x128xf32, #tpu.memory_space<vmem>>, vector<2000x128xf32>,
    return
  }
  func.func @transform_0(%arg0: i32) -> (i32, i32) {
    %c0_i32 = arith.constant 0 : i32
    %c0_i32_0 = arith.constant 0 : i32
    return %arg0, %c0_i32 : i32, i32
  }
  func.func @transform_1(%arg0: i32) -> (i32, i32) {
    %c0_i32 = arith.constant 0 : i32
    %c0_i32_0 = arith.constant 0 : i32
    return %arg0, %c0_i32 : i32, i32
  }
  func.func @transform_2(%arg0: i32) -> (i32, i32) {
    %c0_i32 = arith.constant 0 : i32
    %c0_i32_0 = arith.constant 0 : i32
    return %arg0, %c0_i32 : i32, i32
  }
  func.func @transform_3(%arg0: i32) -> (i32, i32) {
    %c0_i32 = arith.constant 0 : i32
    %c0_i32_0 = arith.constant 0 : i32
    %c0_i32_1 = arith.constant 0 : i32
    return %c0_i32, %c0_i32_0 : i32, i32
  }
  func.func @transform_4(%arg0: i32) -> (i32, i32) {
    %c0_i32 = arith.constant 0 : i32
    %c0_i32_0 = arith.constant 0 : i32
    %c0_i32_1 = arith.constant 0 : i32
    return %c0_i32, %c0_i32_0 : i32, i32
  }
  func.func @transform_5(%arg0: i32) -> (i32, i32) {
    %c0_i32 = arith.constant 0 : i32
    %c0_i32_0 = arith.constant 0 : i32
    %c0_i32_1 = arith.constant 0 : i32
    return %c0_i32, %c0_i32_0 : i32, i32
  }
  func.func @transform_6(%arg0: i32) -> (i32, i32) {
    %c0_i32 = arith.constant 0 : i32
    %c0_i32_0 = arith.constant 0 : i32
    %c0_i32_1 = arith.constant 0 : i32
    return %c0_i32, %c0_i32_0 : i32, i32
  }
  func.func @transform_7(%arg0: i32) -> (i32, i32) {
    %c0_i32 = arith.constant 0 : i32
    %c0_i32_0 = arith.constant 0 : i32
    return %arg0, %c0_i32 : i32, i32
  }
}

module attributes {stable_mosaic.version = 14 : i64} {
  func.func @_tc3_body(%arg0: i32, %arg1: memref<2000x128xf32, #tpu.memory_space<vmem>>, %arg2: memref<2000x128xf32, #tpu.memory_space<vmem>>, %arg3: memref<2000x128xf32, #tpu.memory_space<vmem>>, %arg4: memref<1x64xf32, #tpu.memory_space<vmem>>, %arg5: memref<2000x64xf32, #tpu.memory_space<vmem>>) attributes {dimension_semantics = [#tpu.dimension_semantics<arbitrary>], iteration_bounds = array<i64: 5>, scalar_prefetch = 0 : i64, scratch_operands = 0 : i64, tpu.core_type = #tpu.core_type<tc>, window_params = [{transform_indices = @transform_0, window_bounds = array<i64: 2000, 128>}, {transform_indices = @transform_1, window_bounds = array<i64: 2000, 128>}, {transform_indices = @transform_2, window_bounds = array<i64: 2000, 128>}, {pipeline_mode = #tpu.pipeline_mode<synchronous>, transform_indices = @transform_3, window_bounds = array<i64: 1, 64>}, {transform_indices = @transform_4, window_bounds = array<i64: 2000, 64>}]} {
    %get3A = arith.constant 0 : index
    %get3A_0 = arith.constant 0 : index
    %get3A_1 = vector.load %arg3[%get3A, %get3A_0] : memref<2000x128xf32, #tpu.memory_space<vmem>>, vector<2000x1xf32>
    %get3A_2 = arith.constant 0 : index
    %get3A_3 = arith.constant 16 : index
    %get3A_4 = vector.load %arg3[%get3A_2, %get3A_3] : memref<2000x128xf32, #tpu.memory_space<vmem>>, vector<2000x1xf32>
    %add3A = arith.addf %get3A_1, %get3A_4 : vector<2000x1xf32>
    %add3A_5 = arith.constant 2.000000e+00 : f32
    %add3A_6 = vector.broadcast %add3A_5 : f32 to vector<2000x1xf32>
    %add3A_7 = arith.addf %add3A, %add3A_6 : vector<2000x1xf32>
    %rsqrt3A = math.rsqrt %add3A_7 : vector<2000x1xf32>
    %get3A_8 = arith.constant 0 : index
    %get3A_9 = arith.constant 0 : index
    %get3A_10 = vector.load %arg1[%get3A_8, %get3A_9] : memref<2000x128xf32, #tpu.memory_space<vmem>>, vector<2000x64xf32>
    %get3A_11 = arith.constant 0 : index
    %get3A_12 = arith.constant 64 : index
    %get3A_13 = vector.load %arg1[%get3A_11, %get3A_12] : memref<2000x128xf32, #tpu.memory_space<vmem>>, vector<2000x64xf32>
    %add3A_14 = arith.addf %get3A_10, %get3A_13 : vector<2000x64xf32>
    %mul3A = vector.broadcast %rsqrt3A : vector<2000x1xf32> to vector<2000x64xf32>
    %mul3A_15 = arith.mulf %mul3A, %add3A_14 : vector<2000x64xf32>
    %mul3A_16 = arith.constant 2.000000e+00 : f32
    %mul3A_17 = vector.broadcast %mul3A_16 : f32 to vector<2000x1xf32>
    %mul3A_18 = arith.mulf %mul3A_17, %rsqrt3A : vector<2000x1xf32>
    %get3A_19 = arith.constant 0 : index
    %get3A_20 = arith.constant 0 : index
    %get3A_21 = vector.load %arg2[%get3A_19, %get3A_20] : memref<2000x128xf32, #tpu.memory_space<vmem>>, vector<2000x64xf32>
    %mul3A_22 = vector.broadcast %mul3A_18 : vector<2000x1xf32> to vector<2000x64xf32>
    %mul3A_23 = arith.mulf %mul3A_22, %get3A_21 : vector<2000x64xf32>
    %add3A_24 = arith.addf %mul3A_15, %mul3A_23 : vector<2000x64xf32>
    %get3A_25 = arith.constant 0 : index
    %get3A_26 = arith.constant 0 : index
    %get3A_27 = vector.load %arg4[%get3A_25, %get3A_26] : memref<1x64xf32, #tpu.memory_space<vmem>>, vector<1x64xf32>
    %add3A_28 = vector.broadcast %get3A_27 : vector<1x64xf32> to vector<2000x64xf32>
    %add3A_29 = arith.addf %add3A_24, %add3A_28 : vector<2000x64xf32>
    %reduce_max3A = arith.constant dense<0xFF800000> : vector<2000xf32>
    %reduce_max3A_30 = vector.multi_reduction <maximumf>, %add3A_29, %reduce_max3A [1] : vector<2000x64xf32> to vector<2000xf32>
    %broadcast_in_dim3A = vector.shape_cast %reduce_max3A_30 : vector<2000xf32> to vector<2000x1xf32>
    %sub3A = vector.broadcast %broadcast_in_dim3A : vector<2000x1xf32> to vector<2000x64xf32>
    %sub3A_31 = arith.subf %add3A_29, %sub3A : vector<2000x64xf32>
    %exp3A = math.exp %sub3A_31 : vector<2000x64xf32>
    %reduce_sum3A = arith.constant dense<0.000000e+00> : vector<2000xf32>
    %reduce_sum3A_32 = vector.multi_reduction <add>, %exp3A, %reduce_sum3A [1] : vector<2000x64xf32> to vector<2000xf32>
    %broadcast_in_dim3A_33 = vector.shape_cast %reduce_sum3A_32 : vector<2000xf32> to vector<2000x1xf32>
    %log3A = math.log %broadcast_in_dim3A_33 : vector<2000x1xf32>
    %sub3A_34 = vector.broadcast %log3A : vector<2000x1xf32> to vector<2000x64xf32>
    %sub3A_35 = arith.subf %sub3A_31, %sub3A_34 : vector<2000x64xf32>
    %swap3A = arith.constant 0 : index
    %swap3A_36 = arith.constant 0 : index
    %swap3A_37 = vector.load %arg5[%swap3A, %swap3A_36] : memref<2000x64xf32, #tpu.memory_space<vmem>>, vector<2000x64xf32>
    tpu.vector_store %arg5[%swap3A, %swap3A_36], %sub3A_35 {strides = array<i32>} : memref<2000x64xf32, #tpu.memory_space<vmem>>, vector<2000x64xf32>,
    return
  }
  func.func @transform_0(%arg0: i32) -> (i32, i32) {
    %c0_i32 = arith.constant 0 : i32
    %c0_i32_0 = arith.constant 0 : i32
    return %arg0, %c0_i32 : i32, i32
  }
  func.func @transform_1(%arg0: i32) -> (i32, i32) {
    %c0_i32 = arith.constant 0 : i32
    %c0_i32_0 = arith.constant 0 : i32
    return %arg0, %c0_i32 : i32, i32
  }
  func.func @transform_2(%arg0: i32) -> (i32, i32) {
    %c0_i32 = arith.constant 0 : i32
    %c0_i32_0 = arith.constant 0 : i32
    return %arg0, %c0_i32 : i32, i32
  }
  func.func @transform_3(%arg0: i32) -> (i32, i32) {
    %c0_i32 = arith.constant 0 : i32
    %c0_i32_0 = arith.constant 0 : i32
    %c0_i32_1 = arith.constant 0 : i32
    return %c0_i32, %c0_i32_0 : i32, i32
  }
  func.func @transform_4(%arg0: i32) -> (i32, i32) {
    %c0_i32 = arith.constant 0 : i32
    %c0_i32_0 = arith.constant 0 : i32
    return %arg0, %c0_i32 : i32, i32
  }
}

</mosaic_0001>

<sc_bundles>
// kernel: kernel.11.cloned.1.call-start
scs
__scs_entry_jumppad:
0x0: {  	(pc) =	sbr.rel $0x88, $3  }
0x1: {  	(tag) =	ssettag $0x0;
	lr =	simm.s32 $0x1  }
0x2: {  	[smem:$0x3F99] =	sst lr;
	_ =	strace $0xD0000000  }
0x3: {  	_ = 	snop  }
0x4: {  	_ = 	snop  }
0x5: {  	_ = 	snop  }
0x6: {  	_ = 	snop  }
0x7: {  	_ = 	snop  }
__scs_overlays_trampoline_lowered:
0x8: {  	[smem:$0x3FA8] =	sst s0  }
0x9: {  	[smem:$0x3FA9] =	sst s1  }
0xa: {  	[smem:$0x3FAA] =	sst s2  }
0xb: {  	[smem:$0x3FAB] =	sst s3  }
0xc: {  	[smem:$0x3FAC] =	sst s4  }
0xd: {  	[smem:$0x3FAD] =	sst s5  }
0xe: {  	[smem:$0x3FAE] =	sst s6  }
0xf: {  	[smem:$0x3FAF] =	sst s7  }
0x10: {  	[smem:$0x3FB0] =	sst s8  }
0x11: {  	[smem:$0x3FB1] =	sst s9;
	s0 =	simm.s32 @!p0 $0x0  }
0x12: {  	s1 =	sld [smem:$0x3F97];
	s0 =	simm.s32 @p0 $0x1  }
0x13: {  	[smem:$0x3FB2] =	sst s0;
	s0 =	simm.s32 @!p1 $0x0  }
0x14: {  	s2 =	sld [smem:$0x3F96];
	s0 =	simm.s32 @p1 $0x1  }
0x15: {  	[smem:$0x3FB3] =	sst s0;
	s0 =	simm.s32 @!p2 $0x0  }
0x16: {  	s3 =	sld [smem:$0x3FDB];
	s0 =	simm.s32 @p2 $0x1  }
0x17: {  	s4 =	simm.s32 $0x1BF5;
	[smem:$0x3FB5] =	sst s0  }
0x18: {  	s0 =	sld [smem:$0x3F98];
	_ =	swait.ge [sflag:s4], $0x0  }
0x19: {  	s7 =	sld [smem:$0x3F99]  }
0x1a: {  	s8 =	sadd.s32 $0xFFFFE003, lr  }
0x1b: {  	s9 =	sadd.s32 $0xFFFFFEF7, lr;
	s5 =	simm.s32 $0xFFFFFFFF;
	p2 =	slt.u32 s8, $0xFFFFF086  }
0x1c: {  	p1 =	slt.u32 s9, $0xF7A;
	s5 =	simm.s32 @!p2 $0x0  }
0x1d: {  	s5 =	simm.s32 @p1 $0x1;
	p0 =	seq.s32 s7, s2  }
0x1e: {  	s7 =	smul.u32 @!p0 $0xF7A, s2;
	p2 =	seq.s32 @!p0 s5, $0x0  }
0x1f: {  	s9 =	smul.u32 $0xF7A, s1;
	s8 =	simm.s32 @!p0 $0x1BF5;
	p2 =	por !p2, p0  }
0x20: {  	[sflag:s8] =	ssyncset.s32 @!p0 $0xFFFFF086;
	s6 =	sadd.s32 @!p0 s3, s7;
	s7 =	simm.s32 @!p0 $0x108  }
0x21: {  	s3 =	sadd.s32 s3, s9;
	s6 =	sadd.s32 @!p0 $0x88, s6;
	s7 =	simm.s32 @p2 $0x1082  }
0x22: {  	[simem:s7], [sflag:s8] =	dma.local @!p0 [hbm:s6], $0xF7A  }
0x23: {  	s9 =	sor.u32 $0xD0000000, s2;
	s6 =	simm.s32 $0x108;
	_ =	swait.ge @!p0 [sflag:s8], $0x0  }
0x24: {  	s3 =	sadd.s32 $0x88, s3;
	s6 =	simm.s32 @!p1 $0x1082;
	[sflag:s4] =	ssyncset.s32 $0xFFFFF086  }
0x25: {  	[simem:s6], [sflag:s4] =	dma.local [hbm:s3], $0xF7A  }
0x26: {  	[smem:$0x3F99] =	sst s1;
	(tag) =	ssettag s2;
	_ =	strace s9  }
0x27: {  	s1 =	sld [smem:$0x3FA9]  }
0x28: {  	s2 =	sld [smem:$0x3FAA]  }
0x29: {  	s4 =	sld [smem:$0x3FAC]  }
0x2a: {  	p0 =	seq.s32 s5, $0x0;
	s5 =	sld [smem:$0x3FAD]  }
0x2b: {  	s6 =	sld [smem:$0x3FAE]  }
0x2c: {  	s7 =	sld [smem:$0x3FAF]  }
0x2d: {  	s3 =	simm.s32 $0x108;
	s8 =	sld [smem:$0x3FB0]  }
0x2e: {  	s3 =	simm.s32 @!p0 $0x1082;
	s9 =	sld [smem:$0x3FB1]  }
0x2f: {  	lr =	sadd.s32 s0, s3;
	s0 =	sld [smem:$0x3FA8]  }
0x30: {  	s3 =	sld [smem:$0x3FAB]  }
0x31: {  	[smem:$0x3FB4] =	sst s10  }
0x32: {  	s10 =	sld [smem:$0x3FB2];
	_ =	sdelay $0x3  }
0x33: {  	p0 =	seq.s32 s10, $0x1;
	s10 =	sld [smem:$0x3FB4];
	_ =	sdelay $0x3  }
0x34: {  	[smem:$0x3FB4] =	sst s10  }
0x35: {  	s10 =	sld [smem:$0x3FB3];
	_ =	sdelay $0x3  }
0x36: {  	p1 =	seq.s32 s10, $0x1;
	s10 =	sld [smem:$0x3FB4];
	_ =	sdelay $0x3  }
0x37: {  	[smem:$0x3FB4] =	sst s10  }
0x38: {  	s10 =	sld [smem:$0x3FB5]  }
0x39: {  	_ = 	snop;
	(pc) =	sbr.ind lr, $3  }
0x3a: {  	_ = 	snop  }
0x3b: {  	_ = 	snop  }
0x3c: {  	p2 =	seq.s32 s10, $0x1;
	s10 =	sld [smem:$0x3FB4]  }
0x3d: {  	_ =	shalt  }
0x3e: {  	_ =	shalt  }
0x3f: {  	_ =	shalt  }
0x40: {  	_ =	shalt  }
0x41: {  	_ =	shalt  }
0x42: {  	_ =	shalt  }
0x43: {  	_ =	shalt  }
0x44: {  	_ =	shalt  }
0x45: {  	_ =	shalt  }
0x46: {  	_ =	shalt  }
0x47: {  	_ =	shalt  }
0x48: {  	_ =	shalt  }
0x49: {  	_ =	shalt  }
0x4a: {  	_ =	shalt  }
0x4b: {  	_ =	shalt  }
0x4c: {  	_ =	shalt  }
0x4d: {  	_ =	shalt  }
0x4e: {  	_ =	shalt  }
0x4f: {  	_ =	shalt  }
0x50: {  	_ =	shalt  }
0x51: {  	_ =	shalt  }
0x52: {  	_ =	shalt  }
0x53: {  	_ =	shalt  }
0x54: {  	_ =	shalt  }
0x55: {  	_ =	shalt  }
0x56: {  	_ =	shalt  }
0x57: {  	_ =	shalt  }
0x58: {  	_ =	shalt  }
0x59: {  	_ =	shalt  }
0x5a: {  	_ =	shalt  }
0x5b: {  	_ =	shalt  }
0x5c: {  	_ =	shalt  }
0x5d: {  	_ =	shalt  }
0x5e: {  	_ =	shalt  }
0x5f: {  	_ =	shalt  }
0x60: {  	_ =	shalt  }
0x61: {  	_ =	shalt  }
0x62: {  	_ =	shalt  }
0x63: {  	_ =	shalt  }
0x64: {  	_ =	shalt  }
0x65: {  	_ =	shalt  }
0x66: {  	_ =	shalt  }
0x67: {  	_ =	shalt  }
0x68: {  	_ =	shalt  }
0x69: {  	_ =	shalt  }
0x6a: {  	_ =	shalt  }
0x6b: {  	_ =	shalt  }
0x6c: {  	_ =	shalt  }
0x6d: {  	_ =	shalt  }
0x6e: {  	_ =	shalt  }
0x6f: {  	_ =	shalt  }
0x70: {  	_ =	shalt  }
0x71: {  	_ =	shalt  }
0x72: {  	_ =	shalt  }
0x73: {  	_ =	shalt  }
0x74: {  	_ =	shalt  }
0x75: {  	_ =	shalt  }
0x76: {  	_ =	shalt  }
0x77: {  	_ =	shalt  }
0x78: {  	_ =	shalt  }
0x79: {  	_ =	shalt  }
0x7a: {  	_ =	shalt  }
0x7b: {  	_ =	shalt  }
0x7c: {  	_ =	shalt  }
0x7d: {  	_ =	shalt  }
0x7e: {  	_ =	shalt  }
0x7f: {  	_ =	shalt  }
0x80: {  	_ =	shalt  }
0x81: {  	_ =	shalt  }
0x82: {  	_ =	shalt  }
0x83: {  	_ =	shalt  }
0x84: {  	_ =	shalt  }
0x85: {  	_ =	shalt  }
0x86: {  	_ =	shalt  }
0x87: {  	_ =	shalt  }
.Lfunc_end0:
.L_simem_size_0:
called_computation.1_lowered:
.L_overlay_start_0:
0x88: {  	s2 =	sld [smem:$0x3FD9]  }
0x89: {  	s3 =	sld [smem:$0x3FFE];
	_ =	sdelay $0x1  }
0x8a: {  	s1 =	srdreg.scid  }
0x8b: {  	s0 =	sand.u32 $0x1, s1  }
0x8c: {  	s17 =	sshll.u32 s0, $0xA;
	s2 =	sadd.s32 s3, s2  }
0x8d: {  	s2 =	sadd.s32 s2, s17  }
0x8e: {  	[smem:$0x3FC0] =	sst s2  }
0x8f: {  	_ = 	snop  }
0x90: {  	s2 =	sld [smem:$0x3FD0];
	(tm) =	ssettm $0x1  }
0x91: {  	s18 =	sld [smem:$0x3FFB];
	_ =	sdelay $0x3  }
0x92: {  	_ =	strace s18  }
0x93: {  	s3 =	sld [smem:$0x3FFC];
	_ =	sdelay $0x3  }
0x94: {  	_ =	strace s3  }
0x95: {  	s3 =	sld [smem:$0x3FFD];
	_ =	sdelay $0x3  }
0x96: {  	_ =	strace s3  }
0x97: {  	_ =	strace $0x8FFFFFFF  }
0x98: {  	s19 =	sld [smem:$0x3FDB];
	_ =	sdelay $0x1  }
0x99: {  	s4 =	simm.s32 $_scs_section_size  }
0x9a: {  	s5 =	simm.s32 $_size__tile_overlayer_lowered;
	s6 =	simm.s32 $_tile_overlayer_lowered  }
0x9b: {  	s22 =	simm.s32 $0x1BFF;
	s21 =	sshll.u32 s6, $0x1;
	s3 =	sadd.s32 s4, s19  }
0x9c: {  	s7 =	simm.s32 $0x0;
	s20 =	sshll.u32 s5, $0x1;
	s5 =	sadd.s32 s21, s3  }
0x9d: {  	[timem:s7], [sflag:s22] =	dma.local [hbm:s5], s20  }
0x9e: {  	_ =	swait.ge [sflag:s22], s20  }
0x9f: {  	s4 =	ssub.s32 $0x0, s20;
	[sflag:s22] =	ssyncset.done $0x0  }
0xa0: {  	[sflag:s22] =	ssyncadd.s32 s4;
	_ =	sdelay $0x1  }
0xa1: {  	s23 =	simm.s32 $0x1B8B  }
0xa2: {  	_ =	swait.ge [sflag:s23], $0x1  }
0xa3: {  	[sflag:s23] =	ssyncset.done $0x0  }
0xa4: {  	s25 =	simm.s32 $0x1B8E;
	s24 =	sld [smem:$0x3FFE];
	[sflag:s23] =	ssyncadd.s32 $0xFFFFFFFF  }
0xa5: {  	s26 =	simm.s32 $execute0_lowered;
	[smem:$0x3FD2] =	sst s25  }
0xa6: {  	s5 =	sshll.u32 s26, $0x1;
	_ =	strace $0x80000049;
	[dreg:$0x1] =	wrdreg $0xFFFFFFFF  }
0xa7: {  	s28 =	simm.s32 $_size_execute0_lowered;
	s3 =	sadd.s32 s3, s5;
	[dreg:$0x0] =	wrdreg $0x0  }
0xa8: {  	s5 =	sshll.u32 s28, $0x1;
	[dreg:$0x2] =	wrdreg s3  }
0xa9: {  	[dreg:$0x3] =	wrdreg s5  }
0xaa: {  	[dreg:$0x4] =	wrdreg $0xC0  }
0xab: {  	_ =	task [dreg:s7], $0x5FFFF  }
0xac: {  	[dreg:$0x1] =	wrdreg $0xFFFFFFFF  }
0xad: {  	[dreg:$0x0] =	wrdreg $0x60  }
0xae: {  	[dreg:$0x2] =	wrdreg s24  }
0xaf: {  	[dreg:$0x3] =	wrdreg s2  }
0xb0: {  	[dreg:$0x4] =	wrdreg $0xB0000  }
0xb1: {  	[dreg:$0x5] =	wrdreg $0x14C600  }
0xb2: {  	[dreg:$0x6] =	wrdreg $0x9  }
0xb3: {  	_ =	task.clear_ibuf [dreg:s7], $0x7FFFF;
	_ =	strace $0x90000049  }
0xb4: {  	s29 =	simm.s32 $0x9;
	_ =	strace $0x8000004B  }
0xb5: {  	_ =	swait.ge [sflag:s29], $0x1  }
0xb6: {  	[sflag:s29] =	ssyncadd.s32 $0xFFFFFFFF  }
0xb7: {  	_ =	strace $0x9000004B  }
0xb8: {  	_ =	sfence  }
0xb9: {  	s30 =	sld [smem:$0x0];
	_ =	sdelay $0x2  }
0xba: {  	s31 =	sshll.u32 s1, $0xD;
	s1 =	sshrl.u32 s1, $0x2  }
0xbb: {  	s3 =	sand.u32 $0x4000, s31;
	s1 =	sadd.s32 s1, s30  }
0xbc: {  	s0 =	sor.u32 s3, s0;
	s1 =	sshll.u32 s1, $0x11  }
0xbd: {  	s0 =	sor.u32 s1, s0  }
0xbe: {  	s0 =	sadd.s32 $0x8F2B, s0  }
0xbf: {  	[sflag:s0] =	ssyncadd.remote.s32 $0x1  }
0xc0: {  	_ =	sfence.sel $0xFFFF  }
0xc1: {  	[dreg:$0x0] =	wrdreg $0xFFFFFFFF;
	(pc) =	sbr.abs _section_cstart, $3  }
0xc2: {  	[dreg:$0x1] =	wrdreg $0xFFFFFFFF  }
0xc3: {  	_ =	task.clear_ibuf [dreg:s7], $0x2FFFF;
	_ =	strace $0x9FFFFFFF  }
0xc4: {  	(tm) =	ssettm $0x7FFFFFFF  }
0xc5: {  	_ =	shalt  }
tec
execute0_lowered:
.L_overlay_start_1:
0x0: {  	(tag) =	ssettag $0x1  }
0x1: {  	s6 =	rddreg [dreg:$0x0]  }
0x2: {  	s7 =	rddreg [dreg:$0x1];
	s1 =	srdreg.scid  }
0x3: {  	s0 =	stileid.u32;
	s2 =	rddreg [dreg:$0x2]  }
0x4: {  	s3 =	rddreg [dreg:$0x3];
	s4 =	simm.s32 $0x0;
	s15 =	simm.s32 $0x8  }
0x5: {  	s16 =	simm.s32 $0x10;
	s18 =	simm.s32 $0x80;
	s5 =	smul.u32 $0x13880, s0  }
0x6: {  	s19 =	simm.s32 $0x5000;
	s20 =	simm.s32 $0x7000;
	s10 =	smul.u32 $0x13C00, s0  }
0x7: {  	s21 =	simm.s32 $0x5;
	s22 =	simm.s32 $0x0;
	s26 =	smul.u32 $0x2800, s0  }
0x8: {  	s8 =	sand.u32 $0x1, s1;
	s1 =	rddreg [dreg:$0x4];
	s12 =	smul.u32 $0x27100, s0  }
0x9: {  	[smem:$0x7FF] =	sst s4;
	s14 =	smul.u32 $0x27800, s0;
	s31 =	sshll.u32 s0, $0x6  }
0xa: {  	s9 =	sshll.u32 s8, $0x6;
	_ =	strace $0x8000004A;
	s8 =	ssub.s32 $0x2, s8  }
0xb: {  	s5 =	sor.u32 s9, s5;
	s9 =	sor.u32 s9, s10;
	s13 =	sshrl.u32 s8, $0x1  }
0xc: {  	s10 =	sshrl.u32 s26, $0x3;
	s28 =	sshrl.u32 s12, $0x2;
	s29 =	sshrl.u32 s14, $0x2  }
0xd: {  	s12 =	sor.u32 $0x1C07, s31;
	s14 =	simm.s32 $0x1;
	s5 =	sshrl.u32 s5, $0x3  }
0xe: {  	s9 =	sshrl.u32 s9, $0x3;
	s13 =	ssub.s32 s8, s13;
	s30 =	sadd.s32 s28, s2  }
0xf: {  	s17 =	sadd.s32 s29, s3;
	s11 =	sadd.s32 s5, s6;
	s5 =	sadd.s32 $0x2A400, s6  }
0x10: {  	s9 =	sadd.s32 s9, s6;
	s6 =	sadd.s32 s7, s10;
	s10 =	smax.u32 s13, $0x1  }
0x11: {  	s13 =	sshrl.u32 s30, $0x3;
	s17 =	sshrl.u32 s17, $0x3;
	s7 =	sadd.s32 $0x5000, s6  }
0x12: {  	s8 =	sadd.s32 $0x3200, s11;
	s9 =	sadd.s32 $0x2B800, s9;
	s11 =	simm.s32 $0x7  }
.LBB2_1:
0x13: {  	[tilespmem:s4], [sflag:$0x7] =	stream.linear.gather [hbm4b:s6+s4], $0x2800, $0x38;
	[tilespmem:$0x1EA60] =	vst v63  }
0x14: {  	_ =	swait.ge [sflag:s11], $0x2800  }
0x15: {  	[sflag:s11] =	ssyncset.done $0x0  }
0x16: {  	s23 =	simm.s32 $0x2800;
	[sflag:s11] =	ssyncadd.s32 $0xFFFFD800  }
0x17: {  	[tilespmem:s23], [sflag:$0x7] =	stream.linear.gather [hbm4b:s7+s4], $0x2800, $0x38;
	[tilespmem:$0x1EA60] =	vst v63  }
0x18: {  	_ =	swait.ge [sflag:s11], $0x2800  }
0x19: {  	[sflag:s11] =	ssyncset.done $0x0  }
0x1a: {  	[sflag:s11] =	ssyncadd.s32 $0xFFFFD800  }
0x1b: {  	[spmem:s13@s15], [sflag:s12] =	dma.strided [hbm:s8@s16], $0x1388, s14, $0x8   }
0x1c: {  	_ =	swait.ge [sflag:s11], $0x1388  }
0x1d: {  	[sflag:s11] =	ssyncset.done $0x0  }
0x1e: {  	[sflag:s11] =	ssyncadd.s32 $0xFFFFEC78  }
0x1f: {  	[spmem:s17], [sflag:s12] =	dma.local [hbm:s5], $0x13C0  }
0x20: {  	_ =	swait.ge [sflag:s11], $0x13C0  }
0x21: {  	[sflag:s11] =	ssyncset.done $0x0  }
0x22: {  	[sflag:s11] =	ssyncadd.s32 $0xFFFFEC40  }
0x23: {  	[bflag:$0x0] =	sbarrier.arrive $0xFFFF  }
0x24: {  	[tilespmem:s19], [sflag:$0x1] =	stream.indirect.gather [spmem:s2], $0x40, s4, s18, $0xb8;
	[tilespmem:$0x1EA60] =	vst v63  }
0x25: {  	s24 =	simm.s32 $0x100;
	s25 =	simm.s32 $0x0  }
0x26: {  	[tilespmem:s20], [sflag:$0x2] =	stream.indirect.gather [spmem:s2], $0x40, s18, s18, $0xb8;
	[tilespmem:$0x1EA60] =	vst v63  }
.LBB2_2:
0x27: {  	s26 =	smul.u32 $0xAB, s25;
	_ =	sdelay $0x1  }
0x28: {  	s26 =	sshrl.u32 s26, $0x9  }
0x29: {  	s26 =	sand.u32 $0x7F, s26  }
0x2a: {  	p0 =	seq.s32 s25, $0x0;
	s26 =	smul.u32 $0x3, s26  }
0x2b: {  	s28 =	sadd.s32 @!p0 $0xFFFFFFFF, s25  }
0x2c: {  	s30 =	sand.u32 @!p0 $0xFF, s28;
	s26 =	ssub.s32 s25, s26  }
0x2d: {  	s30 =	smul.u32 @!p0 $0xAB, s30;
	s26 =	sand.u32 $0xFF, s26  }
0x2e: {  	s29 =	sadd.s32 $0x1, s26  }
0x2f: {  	s30 =	sshrl.u32 @!p0 s30, $0x9;
	_ =	swait.ge [sflag:s29], $0x2000  }
0x30: {  	s30 =	smul.u32 @!p0 $0x3, s30;
	s31 =	sshll.u32 s26, $0xD;
	[sflag:s29] =	ssyncset.done $0x0  }
0x31: {  	s26 =	sor.u32 $0x4, s26;
	[sflag:s29] =	ssyncadd.s32 $0xFFFFE000;
	s29 =	sadd.s32 $0x5000, s31  }
0x32: {  	[spmem:s3] =	stream.indirect.scatter.add.f32 [tilespmem:s29], [sflag:s26], $0x40, s23, s18, $0xb8;
	[tilespmem:$0x1EA60] =	vst v63  }
0x33: {  	s26 =	ssub.s32 @!p0 s28, s30  }
0x34: {  	s26 =	sor.u32 @!p0 $0x4, s26  }
0x35: {  	s26 =	sand.u32 @!p0 $0xFF, s26  }
0x36: {  	p1 =	sgt.u32 @!p0 s25, $0x4D;
	_ =	swait.ge @!p0 [sflag:s26], $0x2000  }
0x37: {  	p1 =	por p0, !p1;
	[sflag:s26] =	ssyncset.done @!p0 $0x0  }
0x38: {  	[sflag:s26] =	ssyncadd.s32 @!p0 $0xFFFFE000;
	s26 =	sadd.s32 @p1 $0x2, s25  }
0x39: {  	s28 =	smul.u32 @p1 $0xAB, s26;
	_ =	sdelay $0x1  }
0x3a: {  	s28 =	sshrl.u32 @p1 s28, $0x9  }
0x3b: {  	s28 =	sand.u32 @p1 $0x7F, s28  }
0x3c: {  	s28 =	smul.u32 @p1 $0x3, s28  }
0x3d: {  	s25 =	sadd.s32 $0x1, s25  }
0x3e: {  	p0 =	sne.s32 s25, $0x50;
	s26 =	ssub.s32 @p1 s26, s28  }
.Ltmp0:
0x3f: {  	s26 =	sand.u32 @p1 $0xFF, s26;
	(pc) =	sbr.rel @p0 .LBB2_2-.Ltmp0, $4  }
0x40: {  	s28 =	sshll.u32 @p1 s26, $0xD  }
0x41: {  	s26 =	sadd.s32 @p1 $0x1, s26;
	s28 =	sadd.s32 @p1 $0x5000, s28  }
0x42: {  	[tilespmem:s28], [sflag:s26] =	stream.indirect.gather @p1 [spmem:s2], $0x40, s24, s18, $0xb8;
	[tilespmem:$0x1EA60] =	vst v63  }
0x43: {  	s23 =	sadd.s32 $0x80, s23;
	s24 =	sadd.s32 $0x80, s24  }
0x44: {  	_ =	swait.ge [sflag:s21], $0x2000  }
0x45: {  	s22 =	sadd.s32 $0x1, s22;
	[sflag:s21] =	ssyncset.done $0x0  }
0x46: {  	p0 =	sne.s32 s22, s10;
	[sflag:s21] =	ssyncadd.s32 $0xFFFFE000  }
.Ltmp1:
0x47: {  	[bflag:$0x0] =	sbarrier.arrive $0xFFFF;
	(pc) =	sbr.rel @p0 .LBB2_1-.Ltmp1, $4  }
0x48: {  	[hbm:s9@s16], [sflag:s12] =	dma.strided [spmem:s17@s15], $0x13C0, s14, $0x8   }
0x49: {  	_ =	swait.ge [sflag:s11], $0x13C0  }
0x4a: {  	[sflag:s11] =	ssyncset.done $0x0  }
0x4b: {  	[sflag:s11] =	ssyncadd.s32 $0xFFFFEC40  }
0x4c: {  	_ =	sfence.sel $0x180000  }
0x4d: {  	[bflag:$0x0] =	sbarrier.arrive $0xFFFF  }
0x4e: {  	p0 =	sne.s32 s0, $0x0;
	_ =	strace $0x9000004A  }
0x4f: {  	s0 =	sadd.s32 @!p0 $0x100000, s1;
	[bflag:$0x2] =	sbarrier.arrive $0xFFFF  }
0x50: {  	[sflag:s0] =	ssyncadd.tile.s32 @!p0 $0x1;
	_ =	shalt  }
.Lfunc_end2:
_tile_overlayer_lowered:
.L_overlay_start_2:
0x51: {  	(tag) =	ssettag $0x2  }
0x52: {  	s0 =	rddreg [dreg:$0x0];
	s2 =	stileid.u32  }
0x53: {  	s1 =	rddreg [dreg:$0x1];
	p0 =	sne.s32 s2, $0x0  }
0x54: {  	s3 =	rddreg [dreg:$0x2];
	[bflag:$0x3] =	sbarrier.arrive $0xFFFF;
	s2 =	simm.s32 @!p0 $0x1C07  }
0x55: {  	[timem:s3], [sflag:s2] =	dma.local @!p0 [hbm:s0], s1  }
0x56: {  	s0 =	simm.s32 @!p0 $0x7  }
0x57: {  	_ =	swait.ge @!p0 [sflag:s0], s1  }
0x58: {  	s1 =	ssub.s32 @!p0 $0x0, s1;
	[sflag:s0] =	ssyncset.done @!p0 $0x0  }
0x59: {  	[sflag:s0] =	ssyncadd.s32 @!p0 s1  }
0x5a: {  	[bflag:$0x3] =	sbarrier.arrive $0xFFFF  }
0x5b: {  	_ =	shalt  }

// kernel: kernel.14.cloned.1.call-start
scs
__scs_entry_jumppad:
0x0: {  	(pc) =	sbr.rel $0x88, $3  }
0x1: {  	(tag) =	ssettag $0x0;
	lr =	simm.s32 $0x1  }
0x2: {  	[smem:$0x3F99] =	sst lr;
	_ =	strace $0xD0000000  }
0x3: {  	_ = 	snop  }
0x4: {  	_ = 	snop  }
0x5: {  	_ = 	snop  }
0x6: {  	_ = 	snop  }
0x7: {  	_ = 	snop  }
__scs_overlays_trampoline_lowered:
0x8: {  	[smem:$0x3FA8] =	sst s0  }
0x9: {  	[smem:$0x3FA9] =	sst s1  }
0xa: {  	[smem:$0x3FAA] =	sst s2  }
0xb: {  	[smem:$0x3FAB] =	sst s3  }
0xc: {  	[smem:$0x3FAC] =	sst s4  }
0xd: {  	[smem:$0x3FAD] =	sst s5  }
0xe: {  	[smem:$0x3FAE] =	sst s6  }
0xf: {  	[smem:$0x3FAF] =	sst s7  }
0x10: {  	[smem:$0x3FB0] =	sst s8  }
0x11: {  	[smem:$0x3FB1] =	sst s9;
	s0 =	simm.s32 @!p0 $0x0  }
0x12: {  	s1 =	sld [smem:$0x3F97];
	s0 =	simm.s32 @p0 $0x1  }
0x13: {  	[smem:$0x3FB2] =	sst s0;
	s0 =	simm.s32 @!p1 $0x0  }
0x14: {  	s2 =	sld [smem:$0x3F96];
	s0 =	simm.s32 @p1 $0x1  }
0x15: {  	[smem:$0x3FB3] =	sst s0;
	s0 =	simm.s32 @!p2 $0x0  }
0x16: {  	s3 =	sld [smem:$0x3FDB];
	s0 =	simm.s32 @p2 $0x1  }
0x17: {  	s4 =	simm.s32 $0x1BF5;
	[smem:$0x3FB5] =	sst s0  }
0x18: {  	s0 =	sld [smem:$0x3F98];
	_ =	swait.ge [sflag:s4], $0x0  }
0x19: {  	s7 =	sld [smem:$0x3F99]  }
0x1a: {  	s8 =	sadd.s32 $0xFFFFE003, lr  }
0x1b: {  	s9 =	sadd.s32 $0xFFFFFEF7, lr;
	s5 =	simm.s32 $0xFFFFFFFF;
	p2 =	slt.u32 s8, $0xFFFFF086  }
0x1c: {  	p1 =	slt.u32 s9, $0xF7A;
	s5 =	simm.s32 @!p2 $0x0  }
0x1d: {  	s5 =	simm.s32 @p1 $0x1;
	p0 =	seq.s32 s7, s2  }
0x1e: {  	s7 =	smul.u32 @!p0 $0xF7A, s2;
	p2 =	seq.s32 @!p0 s5, $0x0  }
0x1f: {  	s9 =	smul.u32 $0xF7A, s1;
	s8 =	simm.s32 @!p0 $0x1BF5;
	p2 =	por !p2, p0  }
0x20: {  	[sflag:s8] =	ssyncset.s32 @!p0 $0xFFFFF086;
	s6 =	sadd.s32 @!p0 s3, s7;
	s7 =	simm.s32 @!p0 $0x108  }
0x21: {  	s3 =	sadd.s32 s3, s9;
	s6 =	sadd.s32 @!p0 $0x88, s6;
	s7 =	simm.s32 @p2 $0x1082  }
0x22: {  	[simem:s7], [sflag:s8] =	dma.local @!p0 [hbm:s6], $0xF7A  }
0x23: {  	s9 =	sor.u32 $0xD0000000, s2;
	s6 =	simm.s32 $0x108;
	_ =	swait.ge @!p0 [sflag:s8], $0x0  }
0x24: {  	s3 =	sadd.s32 $0x88, s3;
	s6 =	simm.s32 @!p1 $0x1082;
	[sflag:s4] =	ssyncset.s32 $0xFFFFF086  }
0x25: {  	[simem:s6], [sflag:s4] =	dma.local [hbm:s3], $0xF7A  }
0x26: {  	[smem:$0x3F99] =	sst s1;
	(tag) =	ssettag s2;
	_ =	strace s9  }
0x27: {  	s1 =	sld [smem:$0x3FA9]  }
0x28: {  	s2 =	sld [smem:$0x3FAA]  }
0x29: {  	s4 =	sld [smem:$0x3FAC]  }
0x2a: {  	p0 =	seq.s32 s5, $0x0;
	s5 =	sld [smem:$0x3FAD]  }
0x2b: {  	s6 =	sld [smem:$0x3FAE]  }
0x2c: {  	s7 =	sld [smem:$0x3FAF]  }
0x2d: {  	s3 =	simm.s32 $0x108;
	s8 =	sld [smem:$0x3FB0]  }
0x2e: {  	s3 =	simm.s32 @!p0 $0x1082;
	s9 =	sld [smem:$0x3FB1]  }
0x2f: {  	lr =	sadd.s32 s0, s3;
	s0 =	sld [smem:$0x3FA8]  }
0x30: {  	s3 =	sld [smem:$0x3FAB]  }
0x31: {  	[smem:$0x3FB4] =	sst s10  }
0x32: {  	s10 =	sld [smem:$0x3FB2];
	_ =	sdelay $0x3  }
0x33: {  	p0 =	seq.s32 s10, $0x1;
	s10 =	sld [smem:$0x3FB4];
	_ =	sdelay $0x3  }
0x34: {  	[smem:$0x3FB4] =	sst s10  }
0x35: {  	s10 =	sld [smem:$0x3FB3];
	_ =	sdelay $0x3  }
0x36: {  	p1 =	seq.s32 s10, $0x1;
	s10 =	sld [smem:$0x3FB4];
	_ =	sdelay $0x3  }
0x37: {  	[smem:$0x3FB4] =	sst s10  }
0x38: {  	s10 =	sld [smem:$0x3FB5]  }
0x39: {  	_ = 	snop;
	(pc) =	sbr.ind lr, $3  }
0x3a: {  	_ = 	snop  }
0x3b: {  	_ = 	snop  }
0x3c: {  	p2 =	seq.s32 s10, $0x1;
	s10 =	sld [smem:$0x3FB4]  }
0x3d: {  	_ =	shalt  }
0x3e: {  	_ =	shalt  }
0x3f: {  	_ =	shalt  }
0x40: {  	_ =	shalt  }
0x41: {  	_ =	shalt  }
0x42: {  	_ =	shalt  }
0x43: {  	_ =	shalt  }
0x44: {  	_ =	shalt  }
0x45: {  	_ =	shalt  }
0x46: {  	_ =	shalt  }
0x47: {  	_ =	shalt  }
0x48: {  	_ =	shalt  }
0x49: {  	_ =	shalt  }
0x4a: {  	_ =	shalt  }
0x4b: {  	_ =	shalt  }
0x4c: {  	_ =	shalt  }
0x4d: {  	_ =	shalt  }
0x4e: {  	_ =	shalt  }
0x4f: {  	_ =	shalt  }
0x50: {  	_ =	shalt  }
0x51: {  	_ =	shalt  }
0x52: {  	_ =	shalt  }
0x53: {  	_ =	shalt  }
0x54: {  	_ =	shalt  }
0x55: {  	_ =	shalt  }
0x56: {  	_ =	shalt  }
0x57: {  	_ =	shalt  }
0x58: {  	_ =	shalt  }
0x59: {  	_ =	shalt  }
0x5a: {  	_ =	shalt  }
0x5b: {  	_ =	shalt  }
0x5c: {  	_ =	shalt  }
0x5d: {  	_ =	shalt  }
0x5e: {  	_ =	shalt  }
0x5f: {  	_ =	shalt  }
0x60: {  	_ =	shalt  }
0x61: {  	_ =	shalt  }
0x62: {  	_ =	shalt  }
0x63: {  	_ =	shalt  }
0x64: {  	_ =	shalt  }
0x65: {  	_ =	shalt  }
0x66: {  	_ =	shalt  }
0x67: {  	_ =	shalt  }
0x68: {  	_ =	shalt  }
0x69: {  	_ =	shalt  }
0x6a: {  	_ =	shalt  }
0x6b: {  	_ =	shalt  }
0x6c: {  	_ =	shalt  }
0x6d: {  	_ =	shalt  }
0x6e: {  	_ =	shalt  }
0x6f: {  	_ =	shalt  }
0x70: {  	_ =	shalt  }
0x71: {  	_ =	shalt  }
0x72: {  	_ =	shalt  }
0x73: {  	_ =	shalt  }
0x74: {  	_ =	shalt  }
0x75: {  	_ =	shalt  }
0x76: {  	_ =	shalt  }
0x77: {  	_ =	shalt  }
0x78: {  	_ =	shalt  }
0x79: {  	_ =	shalt  }
0x7a: {  	_ =	shalt  }
0x7b: {  	_ =	shalt  }
0x7c: {  	_ =	shalt  }
0x7d: {  	_ =	shalt  }
0x7e: {  	_ =	shalt  }
0x7f: {  	_ =	shalt  }
0x80: {  	_ =	shalt  }
0x81: {  	_ =	shalt  }
0x82: {  	_ =	shalt  }
0x83: {  	_ =	shalt  }
0x84: {  	_ =	shalt  }
0x85: {  	_ =	shalt  }
0x86: {  	_ =	shalt  }
0x87: {  	_ =	shalt  }
.Lfunc_end0:
.L_simem_size_0:
called_computation.2_lowered:
.L_overlay_start_0:
0x88: {  	s2 =	sld [smem:$0x3FD9]  }
0x89: {  	s3 =	sld [smem:$0x3FFE];
	_ =	sdelay $0x1  }
0x8a: {  	s1 =	srdreg.scid  }
0x8b: {  	s0 =	sand.u32 $0x1, s1  }
0x8c: {  	s17 =	sshll.u32 s0, $0xA;
	s2 =	sadd.s32 s3, s2  }
0x8d: {  	s2 =	sadd.s32 s2, s17  }
0x8e: {  	[smem:$0x3FC0] =	sst s2  }
0x8f: {  	_ = 	snop  }
0x90: {  	s2 =	sld [smem:$0x3FD0];
	(tm) =	ssettm $0x1  }
0x91: {  	s18 =	sld [smem:$0x3FFB];
	_ =	sdelay $0x3  }
0x92: {  	_ =	strace s18  }
0x93: {  	s3 =	sld [smem:$0x3FFC];
	_ =	sdelay $0x3  }
0x94: {  	_ =	strace s3  }
0x95: {  	s3 =	sld [smem:$0x3FFD];
	_ =	sdelay $0x3  }
0x96: {  	_ =	strace s3  }
0x97: {  	_ =	strace $0x8FFFFFFF  }
0x98: {  	s19 =	sld [smem:$0x3FDB];
	_ =	sdelay $0x1  }
0x99: {  	s4 =	simm.s32 $_scs_section_size  }
0x9a: {  	s5 =	simm.s32 $_size__tile_overlayer_lowered;
	s6 =	simm.s32 $_tile_overlayer_lowered  }
0x9b: {  	s22 =	simm.s32 $0x1BFF;
	s21 =	sshll.u32 s6, $0x1;
	s3 =	sadd.s32 s4, s19  }
0x9c: {  	s7 =	simm.s32 $0x0;
	s20 =	sshll.u32 s5, $0x1;
	s5 =	sadd.s32 s21, s3  }
0x9d: {  	[timem:s7], [sflag:s22] =	dma.local [hbm:s5], s20  }
0x9e: {  	_ =	swait.ge [sflag:s22], s20  }
0x9f: {  	s4 =	ssub.s32 $0x0, s20;
	[sflag:s22] =	ssyncset.done $0x0  }
0xa0: {  	[sflag:s22] =	ssyncadd.s32 s4;
	_ =	sdelay $0x1  }
0xa1: {  	s23 =	simm.s32 $0x1B8B  }
0xa2: {  	_ =	swait.ge [sflag:s23], $0x1  }
0xa3: {  	[sflag:s23] =	ssyncset.done $0x0  }
0xa4: {  	s25 =	simm.s32 $0x1B8E;
	s24 =	sld [smem:$0x3FFE];
	[sflag:s23] =	ssyncadd.s32 $0xFFFFFFFF  }
0xa5: {  	s26 =	simm.s32 $execute0_lowered;
	[smem:$0x3FD2] =	sst s25  }
0xa6: {  	s5 =	sshll.u32 s26, $0x1;
	_ =	strace $0x8000004C;
	[dreg:$0x1] =	wrdreg $0xFFFFFFFF  }
0xa7: {  	s28 =	simm.s32 $_size_execute0_lowered;
	s3 =	sadd.s32 s3, s5;
	[dreg:$0x0] =	wrdreg $0x0  }
0xa8: {  	s5 =	sshll.u32 s28, $0x1;
	[dreg:$0x2] =	wrdreg s3  }
0xa9: {  	[dreg:$0x3] =	wrdreg s5  }
0xaa: {  	[dreg:$0x4] =	wrdreg $0xC0  }
0xab: {  	_ =	task [dreg:s7], $0x5FFFF  }
0xac: {  	[dreg:$0x1] =	wrdreg $0xFFFFFFFF  }
0xad: {  	[dreg:$0x0] =	wrdreg $0x60  }
0xae: {  	[dreg:$0x2] =	wrdreg s24  }
0xaf: {  	[dreg:$0x3] =	wrdreg s2  }
0xb0: {  	[dreg:$0x4] =	wrdreg $0xA8000  }
0xb1: {  	[dreg:$0x5] =	wrdreg $0x144600  }
0xb2: {  	[dreg:$0x6] =	wrdreg $0x9  }
0xb3: {  	_ =	task.clear_ibuf [dreg:s7], $0x7FFFF;
	_ =	strace $0x9000004C  }
0xb4: {  	s29 =	simm.s32 $0x9;
	_ =	strace $0x8000004E  }
0xb5: {  	_ =	swait.ge [sflag:s29], $0x1  }
0xb6: {  	[sflag:s29] =	ssyncadd.s32 $0xFFFFFFFF  }
0xb7: {  	_ =	strace $0x9000004E  }
0xb8: {  	_ =	sfence  }
0xb9: {  	s30 =	sld [smem:$0x0];
	_ =	sdelay $0x2  }
0xba: {  	s31 =	sshll.u32 s1, $0xD;
	s1 =	sshrl.u32 s1, $0x2  }
0xbb: {  	s3 =	sand.u32 $0x4000, s31;
	s1 =	sadd.s32 s1, s30  }
0xbc: {  	s0 =	sor.u32 s3, s0;
	s1 =	sshll.u32 s1, $0x11  }
0xbd: {  	s0 =	sor.u32 s1, s0  }
0xbe: {  	s0 =	sadd.s32 $0x8F2B, s0  }
0xbf: {  	[sflag:s0] =	ssyncadd.remote.s32 $0x1  }
0xc0: {  	_ =	sfence.sel $0xFFFF  }
0xc1: {  	[dreg:$0x0] =	wrdreg $0xFFFFFFFF;
	(pc) =	sbr.abs _section_cstart, $3  }
0xc2: {  	[dreg:$0x1] =	wrdreg $0xFFFFFFFF  }
0xc3: {  	_ =	task.clear_ibuf [dreg:s7], $0x2FFFF;
	_ =	strace $0x9FFFFFFF  }
0xc4: {  	(tm) =	ssettm $0x7FFFFFFF  }
0xc5: {  	_ =	shalt  }
tec
execute0_lowered:
.L_overlay_start_1:
0x0: {  	(tag) =	ssettag $0x1  }
0x1: {  	s0 =	rddreg [dreg:$0x0]  }
0x2: {  	s1 =	rddreg [dreg:$0x1]  }
0x3: {  	s2 =	rddreg [dreg:$0x2]  }
0x4: {  	s3 =	rddreg [dreg:$0x3];
	s13 =	stileid.u32  }
0x5: {  	s4 =	srdreg.scid;
	s15 =	simm.s32 $0x1;
	s5 =	smul.u32 $0x13C00, s13  }
0x6: {  	s16 =	simm.s32 $0x8;
	s17 =	simm.s32 $0x10;
	s7 =	smul.u32 $0x2710, s13  }
0x7: {  	s19 =	simm.s32 $0x80;
	s20 =	simm.s32 $0x2800;
	s10 =	smul.u32 $0x1400, s13  }
0x8: {  	s6 =	sand.u32 $0x1, s4;
	s4 =	simm.s32 $0x0;
	s25 =	smul.u32 $0x27100, s13  }
0x9: {  	s28 =	smul.u32 $0x27800, s13;
	s31 =	sshll.u32 s13, $0x6;
	s8 =	sshll.u32 s6, $0x6  }
0xa: {  	[smem:$0x7FF] =	sst s4;
	s23 =	smul.u32 $0x14000, s6;
	s6 =	ssub.s32 $0x2, s6  }
0xb: {  	s13 =	sor.u32 $0x1C09, s31;
	s5 =	sor.u32 s8, s5;
	_ =	strace $0x8000004D  }
0xc: {  	s11 =	sadd.s32 s7, s0;
	s26 =	sshrl.u32 s6, $0x1;
	s29 =	sshrl.u32 s25, $0x2  }
0xd: {  	s30 =	sshrl.u32 s28, $0x2;
	s25 =	simm.s32 $0x8800;
	s9 =	sshrl.u32 s5, $0x3  }
0xe: {  	s5 =	sadd.s32 $0x2A400, s0;
	s24 =	sadd.s32 s10, s23;
	s12 =	ssub.s32 s6, s26  }
0xf: {  	s8 =	sadd.s32 $0x3200, s11;
	s18 =	sadd.s32 s30, s3;
	s11 =	simm.s32 $0x9  }
0x10: {  	s26 =	simm.s32 $0x0;
	s0 =	sadd.s32 s9, s0;
	s7 =	sshrl.u32 s24, $0x3  }
0x11: {  	s10 =	smax.u32 s12, $0x1;
	s12 =	simm.s32 $0x1400;
	s18 =	sshrl.u32 s18, $0x3  }
0x12: {  	s24 =	simm.s32 $0x180;
	s6 =	sadd.s32 s1, s7;
	s1 =	sadd.s32 s29, s2  }
0x13: {  	s9 =	sadd.s32 $0x2B800, s0;
	s7 =	sadd.s32 $0x5000, s6;
	s14 =	sshrl.u32 s1, $0x3  }
.LBB2_1:
0x14: {  	[tilespmem:s4], [sflag:$0x9] =	stream.linear.gather [hbm4b:s6+s4], $0x1400, $0x38;
	[tilespmem:$0x1E260] =	vst v63  }
0x15: {  	_ =	swait.ge [sflag:s11], $0x1400  }
0x16: {  	[sflag:s11] =	ssyncset.done $0x0  }
0x17: {  	[sflag:s11] =	ssyncadd.s32 $0xFFFFEC00  }
0x18: {  	[tilespmem:s12], [sflag:$0x9] =	stream.linear.gather [hbm4b:s7+s4], $0x1400, $0x38;
	[tilespmem:$0x1E260] =	vst v63  }
0x19: {  	_ =	swait.ge [sflag:s11], $0x1400  }
0x1a: {  	[sflag:s11] =	ssyncset.done $0x0  }
0x1b: {  	[sflag:s11] =	ssyncadd.s32 $0xFFFFEC00  }
0x1c: {  	[spmem:s14@s16], [sflag:s13] =	dma.strided [hbm:s8@s17], $0x1388, s15, $0x8   }
0x1d: {  	_ =	swait.ge [sflag:s11], $0x1388  }
0x1e: {  	[sflag:s11] =	ssyncset.done $0x0  }
0x1f: {  	[sflag:s11] =	ssyncadd.s32 $0xFFFFEC78  }
0x20: {  	[spmem:s18], [sflag:s13] =	dma.local [hbm:s5], $0x13C0  }
0x21: {  	_ =	swait.ge [sflag:s11], $0x13C0  }
0x22: {  	[sflag:s11] =	ssyncset.done $0x0  }
0x23: {  	[sflag:s11] =	ssyncadd.s32 $0xFFFFEC40  }
0x24: {  	[bflag:$0x0] =	sbarrier.arrive $0xFFFF  }
0x25: {  	[tilespmem:s20], [sflag:$0x1] =	stream.indirect.gather [spmem:s2], $0x40, s4, s19, $0xb8;
	[tilespmem:$0x1E260] =	vst v63  }
0x26: {  	s0 =	simm.s32 $0x4800  }
0x27: {  	[tilespmem:s0], [sflag:$0x2] =	stream.indirect.gather [spmem:s2], $0x40, s19, s19, $0xb8;
	[tilespmem:$0x1E260] =	vst v63  }
0x28: {  	s21 =	simm.s32 $0x100;
	s1 =	simm.s32 $0x6800  }
0x29: {  	[tilespmem:s1], [sflag:$0x3] =	stream.indirect.gather [spmem:s2], $0x40, s21, s19, $0xb8;
	[tilespmem:$0x1E260] =	vst v63  }
0x2a: {  	_ =	swait.ge [sflag:s15], $0x2000  }
0x2b: {  	s22 =	simm.s32 $0x1;
	s23 =	simm.s32 $0x4;
	[sflag:s15] =	ssyncset.done $0x0  }
0x2c: {  	s29 =	simm.s32 $0x200;
	s0 =	sand.u32 $0x3, s22;
	[sflag:s15] =	ssyncadd.s32 $0xFFFFE000  }
0x2d: {  	[spmem:s3] =	stream.indirect.scatter.add.f32 [tilespmem:s20], [sflag:$0x5], $0x40, s12, s19, $0xb8;
	[tilespmem:$0x1E260] =	vst v63  }
0x2e: {  	s28 =	simm.s32 $0x5;
	p0 =	por $0x0, $0x0;
	s30 =	sadd.s32 $0x1, s0  }
0x2f: {  	[tilespmem:s25], [sflag:$0x4] =	stream.indirect.gather [spmem:s2], $0x40, s24, s19, $0xb8;
	[tilespmem:$0x1E260] =	vst v63  }
0x30: {  	s31 =	sshll.u32 s0, $0xD;
	s0 =	sadd.s32 $0x5, s0;
	_ =	swait.ge [sflag:s30], $0x2000  }
0x31: {  	s21 =	simm.s32 $0x1480;
	s1 =	sand.u32 $0x3, s23;
	[sflag:s30] =	ssyncset.done $0x0  }
0x32: {  	s31 =	sadd.s32 $0x2800, s31;
	s22 =	sadd.s32 $0x5, s1;
	[sflag:s30] =	ssyncadd.s32 $0xFFFFE000  }
0x33: {  	[spmem:s3] =	stream.indirect.scatter.add.f32 [tilespmem:s31], [sflag:s0], $0x40, s21, s19, $0xb8;
	[tilespmem:$0x1E260] =	vst v63  }
0x34: {  	s30 =	simm.s32 $0x280;
	s21 =	sshll.u32 @!p0 s1, $0xD;
	_ =	swait.ge [sflag:s22], $0x2000  }
0x35: {  	s0 =	sadd.s32 @!p0 $0x1, s1;
	s31 =	simm.s32 $0x1500;
	[sflag:s22] =	ssyncset.done $0x0  }
0x36: {  	s1 =	sadd.s32 @!p0 $0x2800, s21;
	s21 =	simm.s32 @!p0 $0x80;
	[sflag:s22] =	ssyncadd.s32 $0xFFFFE000  }
.LBB2_2:
0x37: {  	[tilespmem:s1], [sflag:s0] =	stream.indirect.gather @!p0 [spmem:s2], $0x40, s29, s21, $0xb8;
	[tilespmem:$0x1E260] =	vst v63  }
0x38: {  	s0 =	sadd.s32 $0xFFFFFFFD, s28;
	s1 =	smov.u32 s28;
	s28 =	sadd.s32 $0x1, s28  }
0x39: {  	s29 =	smov.u32 s30;
	s21 =	sand.u32 $0x3, s0;
	p1 =	sne.s32 s28, $0x2B  }
0x3a: {  	s22 =	sshll.u32 s21, $0xD;
	s23 =	sadd.s32 $0x1, s21  }
0x3b: {  	p0 =	sgt.u32 s0, $0x24;
	s1 =	sand.u32 $0x3, s1;
	_ =	swait.ge [sflag:s23], $0x2000  }
0x3c: {  	s0 =	sadd.s32 $0x5, s21;
	s21 =	sadd.s32 $0x2800, s22;
	[sflag:s23] =	ssyncset.done $0x0  }
.Ltmp0:
0x3d: {  	s22 =	sadd.s32 $0x5, s1;
	[sflag:s23] =	ssyncadd.s32 $0xFFFFE000;
	(pc) =	sbr.rel @p1 .LBB2_2-.Ltmp0, $4  }
0x3e: {  	[spmem:s3] =	stream.indirect.scatter.add.f32 [tilespmem:s21], [sflag:s0], $0x40, s31, s19, $0xb8;
	[tilespmem:$0x1E260] =	vst v63  }
0x3f: {  	s21 =	sshll.u32 @!p0 s1, $0xD;
	s0 =	sadd.s32 @!p0 $0x1, s1;
	_ =	swait.ge [sflag:s22], $0x2000  }
0x40: {  	s30 =	sadd.s32 $0x80, s30;
	s31 =	sadd.s32 $0x80, s31;
	[sflag:s22] =	ssyncset.done $0x0  }
0x41: {  	s1 =	sadd.s32 @!p0 $0x2800, s21;
	s21 =	simm.s32 @!p0 $0x80;
	[sflag:s22] =	ssyncadd.s32 $0xFFFFE000  }
0x42: {  	[tilespmem:s1], [sflag:s0] =	stream.indirect.gather @!p0 [spmem:s2], $0x40, s29, s21, $0xb8;
	[tilespmem:$0x1E260] =	vst v63  }
0x43: {  	_ =	swait.ge [sflag:s16], $0x2000  }
0x44: {  	s26 =	sadd.s32 $0x1, s26;
	[sflag:s16] =	ssyncset.done $0x0  }
0x45: {  	p0 =	sne.s32 s26, s10;
	[sflag:s16] =	ssyncadd.s32 $0xFFFFE000  }
.Ltmp1:
0x46: {  	[bflag:$0x0] =	sbarrier.arrive $0xFFFF;
	(pc) =	sbr.rel @p0 .LBB2_1-.Ltmp1, $4  }
0x47: {  	[hbm:s9@s17], [sflag:s13] =	dma.strided [spmem:s18@s16], $0x13C0, s15, $0x8   }
0x48: {  	_ =	swait.ge [sflag:s11], $0x13C0  }
0x49: {  	[sflag:s11] =	ssyncset.done $0x0  }
0x4a: {  	[sflag:s11] =	ssyncadd.s32 $0xFFFFEC40  }
0x4b: {  	_ =	sfence.sel $0x180000  }
0x4c: {  	[bflag:$0x0] =	sbarrier.arrive $0xFFFF  }
0x4d: {  	_ =	strace $0x9000004D  }
0x4e: {  	s0 =	stileid.u32;
	[bflag:$0x2] =	sbarrier.arrive $0xFFFF  }
0x4f: {  	p0 =	sne.s32 s0, $0x0;
	s0 =	rddreg [dreg:$0x4]  }
0x50: {  	s0 =	sadd.s32 @!p0 $0x100000, s0  }
0x51: {  	[sflag:s0] =	ssyncadd.tile.s32 @!p0 $0x1;
	_ =	shalt  }
.Lfunc_end2:
_tile_overlayer_lowered:
.L_overlay_start_2:
0x52: {  	(tag) =	ssettag $0x2  }
0x53: {  	s0 =	rddreg [dreg:$0x0];
	s2 =	stileid.u32  }
0x54: {  	s1 =	rddreg [dreg:$0x1];
	p0 =	sne.s32 s2, $0x0  }
0x55: {  	s3 =	rddreg [dreg:$0x2];
	[bflag:$0x3] =	sbarrier.arrive $0xFFFF;
	s2 =	simm.s32 @!p0 $0x1C09  }
0x56: {  	[timem:s3], [sflag:s2] =	dma.local @!p0 [hbm:s0], s1  }
0x57: {  	s0 =	simm.s32 @!p0 $0x9  }
0x58: {  	_ =	swait.ge @!p0 [sflag:s0], s1  }
0x59: {  	s1 =	ssub.s32 @!p0 $0x0, s1;
	[sflag:s0] =	ssyncset.done @!p0 $0x0  }
0x5a: {  	[sflag:s0] =	ssyncadd.s32 @!p0 s1  }
0x5b: {  	[bflag:$0x3] =	sbarrier.arrive $0xFFFF  }
0x5c: {  	_ =	shalt  }

// kernel: kernel.8.cloned.1.call-start
scs
__scs_entry_jumppad:
0x0: {  	(pc) =	sbr.rel $0x88, $3  }
0x1: {  	(tag) =	ssettag $0x0;
	lr =	simm.s32 $0x1  }
0x2: {  	[smem:$0x3F99] =	sst lr;
	_ =	strace $0xD0000000  }
0x3: {  	_ = 	snop  }
0x4: {  	_ = 	snop  }
0x5: {  	_ = 	snop  }
0x6: {  	_ = 	snop  }
0x7: {  	_ = 	snop  }
__scs_overlays_trampoline_lowered:
0x8: {  	[smem:$0x3FA8] =	sst s0  }
0x9: {  	[smem:$0x3FA9] =	sst s1  }
0xa: {  	[smem:$0x3FAA] =	sst s2  }
0xb: {  	[smem:$0x3FAB] =	sst s3  }
0xc: {  	[smem:$0x3FAC] =	sst s4  }
0xd: {  	[smem:$0x3FAD] =	sst s5  }
0xe: {  	[smem:$0x3FAE] =	sst s6  }
0xf: {  	[smem:$0x3FAF] =	sst s7  }
0x10: {  	[smem:$0x3FB0] =	sst s8  }
0x11: {  	[smem:$0x3FB1] =	sst s9;
	s0 =	simm.s32 @!p0 $0x0  }
0x12: {  	s1 =	sld [smem:$0x3F97];
	s0 =	simm.s32 @p0 $0x1  }
0x13: {  	[smem:$0x3FB2] =	sst s0;
	s0 =	simm.s32 @!p1 $0x0  }
0x14: {  	s2 =	sld [smem:$0x3F96];
	s0 =	simm.s32 @p1 $0x1  }
0x15: {  	[smem:$0x3FB3] =	sst s0;
	s0 =	simm.s32 @!p2 $0x0  }
0x16: {  	s3 =	sld [smem:$0x3FDB];
	s0 =	simm.s32 @p2 $0x1  }
0x17: {  	s4 =	simm.s32 $0x1BF5;
	[smem:$0x3FB5] =	sst s0  }
0x18: {  	s0 =	sld [smem:$0x3F98];
	_ =	swait.ge [sflag:s4], $0x0  }
0x19: {  	s7 =	sld [smem:$0x3F99]  }
0x1a: {  	s8 =	sadd.s32 $0xFFFFE003, lr  }
0x1b: {  	s9 =	sadd.s32 $0xFFFFFEF7, lr;
	s5 =	simm.s32 $0xFFFFFFFF;
	p2 =	slt.u32 s8, $0xFFFFF086  }
0x1c: {  	p1 =	slt.u32 s9, $0xF7A;
	s5 =	simm.s32 @!p2 $0x0  }
0x1d: {  	s5 =	simm.s32 @p1 $0x1;
	p0 =	seq.s32 s7, s2  }
0x1e: {  	s7 =	smul.u32 @!p0 $0xF7A, s2;
	p2 =	seq.s32 @!p0 s5, $0x0  }
0x1f: {  	s9 =	smul.u32 $0xF7A, s1;
	s8 =	simm.s32 @!p0 $0x1BF5;
	p2 =	por !p2, p0  }
0x20: {  	[sflag:s8] =	ssyncset.s32 @!p0 $0xFFFFF086;
	s6 =	sadd.s32 @!p0 s3, s7;
	s7 =	simm.s32 @!p0 $0x108  }
0x21: {  	s3 =	sadd.s32 s3, s9;
	s6 =	sadd.s32 @!p0 $0x88, s6;
	s7 =	simm.s32 @p2 $0x1082  }
0x22: {  	[simem:s7], [sflag:s8] =	dma.local @!p0 [hbm:s6], $0xF7A  }
0x23: {  	s9 =	sor.u32 $0xD0000000, s2;
	s6 =	simm.s32 $0x108;
	_ =	swait.ge @!p0 [sflag:s8], $0x0  }
0x24: {  	s3 =	sadd.s32 $0x88, s3;
	s6 =	simm.s32 @!p1 $0x1082;
	[sflag:s4] =	ssyncset.s32 $0xFFFFF086  }
0x25: {  	[simem:s6], [sflag:s4] =	dma.local [hbm:s3], $0xF7A  }
0x26: {  	[smem:$0x3F99] =	sst s1;
	(tag) =	ssettag s2;
	_ =	strace s9  }
0x27: {  	s1 =	sld [smem:$0x3FA9]  }
0x28: {  	s2 =	sld [smem:$0x3FAA]  }
0x29: {  	s4 =	sld [smem:$0x3FAC]  }
0x2a: {  	p0 =	seq.s32 s5, $0x0;
	s5 =	sld [smem:$0x3FAD]  }
0x2b: {  	s6 =	sld [smem:$0x3FAE]  }
0x2c: {  	s7 =	sld [smem:$0x3FAF]  }
0x2d: {  	s3 =	simm.s32 $0x108;
	s8 =	sld [smem:$0x3FB0]  }
0x2e: {  	s3 =	simm.s32 @!p0 $0x1082;
	s9 =	sld [smem:$0x3FB1]  }
0x2f: {  	lr =	sadd.s32 s0, s3;
	s0 =	sld [smem:$0x3FA8]  }
0x30: {  	s3 =	sld [smem:$0x3FAB]  }
0x31: {  	[smem:$0x3FB4] =	sst s10  }
0x32: {  	s10 =	sld [smem:$0x3FB2];
	_ =	sdelay $0x3  }
0x33: {  	p0 =	seq.s32 s10, $0x1;
	s10 =	sld [smem:$0x3FB4];
	_ =	sdelay $0x3  }
0x34: {  	[smem:$0x3FB4] =	sst s10  }
0x35: {  	s10 =	sld [smem:$0x3FB3];
	_ =	sdelay $0x3  }
0x36: {  	p1 =	seq.s32 s10, $0x1;
	s10 =	sld [smem:$0x3FB4];
	_ =	sdelay $0x3  }
0x37: {  	[smem:$0x3FB4] =	sst s10  }
0x38: {  	s10 =	sld [smem:$0x3FB5]  }
0x39: {  	_ = 	snop;
	(pc) =	sbr.ind lr, $3  }
0x3a: {  	_ = 	snop  }
0x3b: {  	_ = 	snop  }
0x3c: {  	p2 =	seq.s32 s10, $0x1;
	s10 =	sld [smem:$0x3FB4]  }
0x3d: {  	_ =	shalt  }
0x3e: {  	_ =	shalt  }
0x3f: {  	_ =	shalt  }
0x40: {  	_ =	shalt  }
0x41: {  	_ =	shalt  }
0x42: {  	_ =	shalt  }
0x43: {  	_ =	shalt  }
0x44: {  	_ =	shalt  }
0x45: {  	_ =	shalt  }
0x46: {  	_ =	shalt  }
0x47: {  	_ =	shalt  }
0x48: {  	_ =	shalt  }
0x49: {  	_ =	shalt  }
0x4a: {  	_ =	shalt  }
0x4b: {  	_ =	shalt  }
0x4c: {  	_ =	shalt  }
0x4d: {  	_ =	shalt  }
0x4e: {  	_ =	shalt  }
0x4f: {  	_ =	shalt  }
0x50: {  	_ =	shalt  }
0x51: {  	_ =	shalt  }
0x52: {  	_ =	shalt  }
0x53: {  	_ =	shalt  }
0x54: {  	_ =	shalt  }
0x55: {  	_ =	shalt  }
0x56: {  	_ =	shalt  }
0x57: {  	_ =	shalt  }
0x58: {  	_ =	shalt  }
0x59: {  	_ =	shalt  }
0x5a: {  	_ =	shalt  }
0x5b: {  	_ =	shalt  }
0x5c: {  	_ =	shalt  }
0x5d: {  	_ =	shalt  }
0x5e: {  	_ =	shalt  }
0x5f: {  	_ =	shalt  }
0x60: {  	_ =	shalt  }
0x61: {  	_ =	shalt  }
0x62: {  	_ =	shalt  }
0x63: {  	_ =	shalt  }
0x64: {  	_ =	shalt  }
0x65: {  	_ =	shalt  }
0x66: {  	_ =	shalt  }
0x67: {  	_ =	shalt  }
0x68: {  	_ =	shalt  }
0x69: {  	_ =	shalt  }
0x6a: {  	_ =	shalt  }
0x6b: {  	_ =	shalt  }
0x6c: {  	_ =	shalt  }
0x6d: {  	_ =	shalt  }
0x6e: {  	_ =	shalt  }
0x6f: {  	_ =	shalt  }
0x70: {  	_ =	shalt  }
0x71: {  	_ =	shalt  }
0x72: {  	_ =	shalt  }
0x73: {  	_ =	shalt  }
0x74: {  	_ =	shalt  }
0x75: {  	_ =	shalt  }
0x76: {  	_ =	shalt  }
0x77: {  	_ =	shalt  }
0x78: {  	_ =	shalt  }
0x79: {  	_ =	shalt  }
0x7a: {  	_ =	shalt  }
0x7b: {  	_ =	shalt  }
0x7c: {  	_ =	shalt  }
0x7d: {  	_ =	shalt  }
0x7e: {  	_ =	shalt  }
0x7f: {  	_ =	shalt  }
0x80: {  	_ =	shalt  }
0x81: {  	_ =	shalt  }
0x82: {  	_ =	shalt  }
0x83: {  	_ =	shalt  }
0x84: {  	_ =	shalt  }
0x85: {  	_ =	shalt  }
0x86: {  	_ =	shalt  }
0x87: {  	_ =	shalt  }
.Lfunc_end0:
.L_simem_size_0:
called_computation_lowered:
.L_overlay_start_0:
0x88: {  	s2 =	sld [smem:$0x3FD9]  }
0x89: {  	s3 =	sld [smem:$0x3FFE];
	_ =	sdelay $0x1  }
0x8a: {  	s1 =	srdreg.scid  }
0x8b: {  	s0 =	sand.u32 $0x1, s1  }
0x8c: {  	s17 =	sshll.u32 s0, $0xA;
	s2 =	sadd.s32 s3, s2  }
0x8d: {  	s2 =	sadd.s32 s2, s17  }
0x8e: {  	[smem:$0x3FC0] =	sst s2  }
0x8f: {  	_ = 	snop  }
0x90: {  	s2 =	sld [smem:$0x3FD0];
	(tm) =	ssettm $0x1  }
0x91: {  	s18 =	sld [smem:$0x3FFB];
	_ =	sdelay $0x3  }
0x92: {  	_ =	strace s18  }
0x93: {  	s3 =	sld [smem:$0x3FFC];
	_ =	sdelay $0x3  }
0x94: {  	_ =	strace s3  }
0x95: {  	s3 =	sld [smem:$0x3FFD];
	_ =	sdelay $0x3  }
0x96: {  	_ =	strace s3  }
0x97: {  	_ =	strace $0x8FFFFFFF  }
0x98: {  	s19 =	sld [smem:$0x3FDB];
	_ =	sdelay $0x1  }
0x99: {  	s4 =	simm.s32 $_scs_section_size  }
0x9a: {  	s5 =	simm.s32 $_size__tile_overlayer_lowered;
	s6 =	simm.s32 $_tile_overlayer_lowered  }
0x9b: {  	s22 =	simm.s32 $0x1BFF;
	s21 =	sshll.u32 s6, $0x1;
	s3 =	sadd.s32 s4, s19  }
0x9c: {  	s7 =	simm.s32 $0x0;
	s20 =	sshll.u32 s5, $0x1;
	s5 =	sadd.s32 s21, s3  }
0x9d: {  	[timem:s7], [sflag:s22] =	dma.local [hbm:s5], s20  }
0x9e: {  	_ =	swait.ge [sflag:s22], s20  }
0x9f: {  	s4 =	ssub.s32 $0x0, s20;
	[sflag:s22] =	ssyncset.done $0x0  }
0xa0: {  	[sflag:s22] =	ssyncadd.s32 s4;
	_ =	sdelay $0x1  }
0xa1: {  	s23 =	simm.s32 $0x1B8B  }
0xa2: {  	_ =	swait.ge [sflag:s23], $0x1  }
0xa3: {  	[sflag:s23] =	ssyncset.done $0x0  }
0xa4: {  	s25 =	simm.s32 $0x1B8E;
	s24 =	sld [smem:$0x3FFE];
	[sflag:s23] =	ssyncadd.s32 $0xFFFFFFFF  }
0xa5: {  	s26 =	simm.s32 $execute0_lowered;
	[smem:$0x3FD2] =	sst s25  }
0xa6: {  	s5 =	sshll.u32 s26, $0x1;
	_ =	strace $0x80000046;
	[dreg:$0x1] =	wrdreg $0xFFFFFFFF  }
0xa7: {  	s28 =	simm.s32 $_size_execute0_lowered;
	s3 =	sadd.s32 s3, s5;
	[dreg:$0x0] =	wrdreg $0x0  }
0xa8: {  	s5 =	sshll.u32 s28, $0x1;
	[dreg:$0x2] =	wrdreg s3  }
0xa9: {  	[dreg:$0x3] =	wrdreg s5  }
0xaa: {  	[dreg:$0x4] =	wrdreg $0xC0  }
0xab: {  	_ =	task [dreg:s7], $0x5FFFF  }
0xac: {  	[dreg:$0x1] =	wrdreg $0xFFFFFFFF  }
0xad: {  	[dreg:$0x0] =	wrdreg $0x60  }
0xae: {  	[dreg:$0x2] =	wrdreg s2  }
0xaf: {  	[dreg:$0x3] =	wrdreg s24  }
0xb0: {  	[dreg:$0x4] =	wrdreg $0x1C000  }
0xb1: {  	[dreg:$0x5] =	wrdreg $0x9  }
0xb2: {  	_ =	task.clear_ibuf [dreg:s7], $0x6FFFF;
	_ =	strace $0x90000046  }
0xb3: {  	s29 =	simm.s32 $0x9;
	_ =	strace $0x80000048  }
0xb4: {  	_ =	swait.ge [sflag:s29], $0x1  }
0xb5: {  	[sflag:s29] =	ssyncadd.s32 $0xFFFFFFFF  }
0xb6: {  	_ =	strace $0x90000048  }
0xb7: {  	_ =	sfence  }
0xb8: {  	s30 =	sld [smem:$0x0];
	_ =	sdelay $0x2  }
0xb9: {  	s31 =	sshll.u32 s1, $0xD;
	s1 =	sshrl.u32 s1, $0x2  }
0xba: {  	s3 =	sand.u32 $0x4000, s31;
	s1 =	sadd.s32 s1, s30  }
0xbb: {  	s0 =	sor.u32 s3, s0;
	s1 =	sshll.u32 s1, $0x11  }
0xbc: {  	s0 =	sor.u32 s1, s0  }
0xbd: {  	s0 =	sadd.s32 $0x8F2B, s0  }
0xbe: {  	[sflag:s0] =	ssyncadd.remote.s32 $0x1  }
0xbf: {  	_ =	sfence.sel $0xFFFF  }
0xc0: {  	[dreg:$0x0] =	wrdreg $0xFFFFFFFF;
	(pc) =	sbr.abs _section_cstart, $3  }
0xc1: {  	[dreg:$0x1] =	wrdreg $0xFFFFFFFF  }
0xc2: {  	_ =	task.clear_ibuf [dreg:s7], $0x2FFFF;
	_ =	strace $0x9FFFFFFF  }
0xc3: {  	(tm) =	ssettm $0x7FFFFFFF  }
tec
execute0_lowered:
.L_overlay_start_1:
0x0: {  	(tag) =	ssettag $0x1  }
0x1: {  	s6 =	rddreg [dreg:$0x0]  }
0x2: {  	s7 =	rddreg [dreg:$0x1]  }
0x3: {  	s2 =	rddreg [dreg:$0x2]  }
0x4: {  	s0 =	rddreg [dreg:$0x3]  }
0x5: {  	s4 =	srdreg.scid;
	s1 =	stileid.u32  }
0x6: {  	s3 =	simm.s32 $0x0;
	s13 =	simm.s32 $0x80;
	s14 =	simm.s32 $0x100  }
0x7: {  	s15 =	simm.s32 $0x180;
	s16 =	simm.s32 $0x1;
	s17 =	simm.s32 $0x10  }
0x8: {  	s18 =	simm.s32 $0x0;
	s8 =	sand.u32 $0x1, s4;
	s26 =	smul.u32 $0x13C00, s1  }
0x9: {  	[smem:$0x7FF] =	sst s3;
	s11 =	smul.u32 $0x1400, s1;
	s4 =	sadd.s32 $0x3200, s7  }
0xa: {  	s28 =	smul.u32 $0x9E00, s1;
	s31 =	sshll.u32 s1, $0x6;
	s5 =	sshll.u32 s8, $0x4  }
0xb: {  	s9 =	smul.u32 $0x14000, s8;
	_ =	strace $0x80000047;
	s8 =	ssub.s32 $0x2, s8  }
0xc: {  	s10 =	sor.u32 s5, s26;
	s5 =	sadd.s32 $0x3400, s7;
	s29 =	sshrl.u32 s8, $0x1  }
0xd: {  	s30 =	sshrl.u32 s28, $0x2;
	s10 =	sshrl.u32 s10, $0x3;
	s9 =	sadd.s32 s9, s11  }
0xe: {  	s8 =	ssub.s32 s8, s29;
	s12 =	sadd.s32 s30, s2;
	s11 =	sor.u32 $0x1C02, s31  }
0xf: {  	s7 =	sadd.s32 s10, s7;
	s9 =	sshrl.u32 s9, $0x3;
	s8 =	smax.u32 s8, $0x1  }
0x10: {  	s10 =	simm.s32 $0x1400;
	s12 =	sshrl.u32 s12, $0x3;
	s6 =	sadd.s32 s6, s9  }
0x11: {  	s7 =	sadd.s32 $0x3A00, s7;
	s9 =	simm.s32 $0x2;
	s6 =	sadd.s32 $0x5000, s6  }
.LBB2_1:
0x12: {  	[tilespmem:s3], [sflag:$0x2] =	stream.linear.gather [hbm4b:s6+s3], $0x1400, $0x38;
	[tilespmem:$0x4380] =	vst v63  }
0x13: {  	_ =	swait.ge [sflag:s9], $0x1400  }
0x14: {  	[sflag:s9] =	ssyncset.done $0x0  }
0x15: {  	[sflag:s9] =	ssyncadd.s32 $0xFFFFEC00  }
0x16: {  	[tilespmem:s10], [sflag:$0x2] =	stream.linear.gather [hbm4b:s4+s3], $0x800, $0x38;
	[tilespmem:$0x4380] =	vst v63  }
0x17: {  	_ =	swait.ge [sflag:s9], $0x800  }
0x18: {  	[sflag:s9] =	ssyncset.done $0x0  }
0x19: {  	[sflag:s9] =	ssyncadd.s32 $0xFFFFF800  }
0x1a: {  	[spmem:s12], [sflag:s11] =	dma.local [hbm:s5], $0x4F0  }
0x1b: {  	_ =	swait.ge [sflag:s9], $0x4F0  }
0x1c: {  	[sflag:s9] =	ssyncset.done $0x0  }
0x1d: {  	[sflag:s9] =	ssyncadd.s32 $0xFFFFFB10  }
0x1e: {  	[bflag:$0x0] =	sbarrier.arrive $0xFFFF  }
0x1f: {  	[spmem:s2] =	stream.indirect.scatter.add.f32 [tilespmem:s10], [sflag:$0x1], $0x10, s3, s13, $0xb8;
	[tilespmem:$0x4380] =	vst v63  }
0x20: {  	_ = 	snop  }
0x21: {  	[spmem:s2] =	stream.indirect.scatter.add.f32 [tilespmem:s10], [sflag:$0x1], $0x10, s13, s13, $0xb8;
	[tilespmem:$0x4380] =	vst v63  }
0x22: {  	_ = 	snop  }
0x23: {  	[spmem:s2] =	stream.indirect.scatter.add.f32 [tilespmem:s10], [sflag:$0x1], $0x10, s14, s13, $0xb8;
	[tilespmem:$0x4380] =	vst v63  }
0x24: {  	_ = 	snop  }
0x25: {  	[spmem:s2] =	stream.indirect.scatter.add.f32 [tilespmem:s10], [sflag:$0x1], $0x10, s15, s13, $0xb8;
	[tilespmem:$0x4380] =	vst v63  }
0x26: {  	s19 =	simm.s32 $0x200  }
0x27: {  	[spmem:s2] =	stream.indirect.scatter.add.f32 [tilespmem:s10], [sflag:$0x1], $0x10, s19, s13, $0xb8;
	[tilespmem:$0x4380] =	vst v63  }
0x28: {  	_ =	swait.ge [sflag:s16], $0x800  }
0x29: {  	s19 =	simm.s32 $0xA00;
	[sflag:s16] =	ssyncset.done $0x0  }
.LBB2_2:
0x2a: {  	s20 =	sshra.s32 s19, $0x2;
	[sflag:s16] =	ssyncadd.s32 $0xFFFFF800;
	p0 =	sne.s32 s19, $0x4E00  }
0x2b: {  	[spmem:s2] =	stream.indirect.scatter.add.f32 [tilespmem:s10], [sflag:$0x1], $0x10, s20, s13, $0xb8;
	[tilespmem:$0x4380] =	vst v63  }
.Ltmp0:
0x2c: {  	_ = 	snop;
	(pc) =	sbr.rel @p0 .LBB2_2-.Ltmp0, $4  }
0x2d: {  	_ = 	snop  }
0x2e: {  	s19 =	sadd.s32 $0x200, s19  }
0x2f: {  	_ =	swait.ge [sflag:s16], $0x800  }
0x30: {  	[sflag:s16] =	ssyncset.done $0x0  }
0x31: {  	[sflag:s16] =	ssyncadd.s32 $0xFFFFF800  }
0x32: {  	_ =	swait.ge [sflag:s16], $0x800  }
0x33: {  	[sflag:s16] =	ssyncset.done $0x0  }
0x34: {  	[sflag:s16] =	ssyncadd.s32 $0xFFFFF800  }
0x35: {  	_ =	swait.ge [sflag:s16], $0x800  }
0x36: {  	[sflag:s16] =	ssyncset.done $0x0  }
0x37: {  	[sflag:s16] =	ssyncadd.s32 $0xFFFFF800  }
0x38: {  	_ =	swait.ge [sflag:s16], $0x800  }
0x39: {  	[sflag:s16] =	ssyncset.done $0x0  }
0x3a: {  	[sflag:s16] =	ssyncadd.s32 $0xFFFFF800  }
0x3b: {  	_ =	swait.ge [sflag:s16], $0x800  }
0x3c: {  	s18 =	sadd.s32 $0x1, s18;
	[sflag:s16] =	ssyncset.done $0x0  }
0x3d: {  	p0 =	sne.s32 s18, s8;
	[sflag:s16] =	ssyncadd.s32 $0xFFFFF800  }
.Ltmp1:
0x3e: {  	[bflag:$0x0] =	sbarrier.arrive $0xFFFF;
	(pc) =	sbr.rel @p0 .LBB2_1-.Ltmp1, $4  }
0x3f: {  	[hbm:s7@s17], [sflag:s11] =	dma.strided [spmem:s12@s9], $0x4F0, s16, $0x2   }
0x40: {  	_ =	swait.ge [sflag:s9], $0x4F0  }
0x41: {  	[sflag:s9] =	ssyncset.done $0x0  }
0x42: {  	[sflag:s9] =	ssyncadd.s32 $0xFFFFFB10  }
0x43: {  	_ =	sfence.sel $0x180000  }
0x44: {  	[bflag:$0x0] =	sbarrier.arrive $0xFFFF  }
0x45: {  	p0 =	sne.s32 s1, $0x0;
	_ =	strace $0x90000047  }
0x46: {  	s0 =	sadd.s32 @!p0 $0x100000, s0;
	[bflag:$0x2] =	sbarrier.arrive $0xFFFF  }
0x47: {  	[sflag:s0] =	ssyncadd.tile.s32 @!p0 $0x1;
	_ =	shalt  }
.Lfunc_end2:
_tile_overlayer_lowered:
.L_overlay_start_2:
0x48: {  	(tag) =	ssettag $0x2  }
0x49: {  	s0 =	rddreg [dreg:$0x0];
	s2 =	stileid.u32  }
0x4a: {  	s1 =	rddreg [dreg:$0x1];
	p0 =	sne.s32 s2, $0x0  }
0x4b: {  	s3 =	rddreg [dreg:$0x2];
	[bflag:$0x3] =	sbarrier.arrive $0xFFFF;
	s2 =	simm.s32 @!p0 $0x1C02  }
0x4c: {  	[timem:s3], [sflag:s2] =	dma.local @!p0 [hbm:s0], s1  }
0x4d: {  	s0 =	simm.s32 @!p0 $0x2  }
0x4e: {  	_ =	swait.ge @!p0 [sflag:s0], s1  }
0x4f: {  	s1 =	ssub.s32 @!p0 $0x0, s1;
	[sflag:s0] =	ssyncset.done @!p0 $0x0  }
0x50: {  	[sflag:s0] =	ssyncadd.s32 @!p0 s1  }
0x51: {  	[bflag:$0x3] =	sbarrier.arrive $0xFFFF  }
0x52: {  	_ =	shalt  }

</sc_bundles>
